<compile_context>
chip_gen: v7x
topology: tpu7x:2x2x1
jax: 0.10.2.dev20260603
libtpu: 0.0.44.dev20260713+nightly
codegen_flags: <defaults>
</compile_context>

<pallas_src>
import dataclasses

import jax
import jax.numpy as jnp
from jax.experimental import pallas as pl
from jax.experimental.pallas import tpu as pltpu
from jax.experimental.pallas import tpu_sc as plsc

N = 320000
R_IN = 128
R_OUT = 256
C_OUT = 256
NS = 10000

B = 6400
NB = N // B
KP = 216
NSP = 11264

SC_CORES = 1
SC_SUBCORES = 16
SC_WORKERS = SC_CORES * SC_SUBCORES
RPW = N // SC_WORKERS
HW = 512
NSC = 11264
NSCR = NSC // 8
STRIPE = NSCR // SC_SUBCORES


def _counts_kernel(bi_hbm, s0w_hbm, smaxw_hbm, out_hbm,
                   ids_v, hist_v, idxr_v, zbuf_v, bounds_v, shared):
    c = jax.lax.axis_index("c")
    s = jax.lax.axis_index("s")
    w = c * SC_SUBCORES + s

    lane = jax.lax.broadcasted_iota(jnp.int32, (16,), 0)
    zeros16 = jnp.zeros((16,), jnp.float32)
    ones16 = jnp.ones((16,), jnp.float32)

    @pl.loop(0, STRIPE)
    def _(k):
        @pl.loop(0, 128, step=16)
        def _(q):
            zbuf_v[k, pl.ds(q, 16)] = zeros16

    pltpu.sync_copy(zbuf_v, shared.at[pl.ds(s * STRIPE, STRIPE), :])

    pltpu.sync_copy(bi_hbm.at[pl.ds(w * RPW, RPW)], ids_v)
    pltpu.sync_copy(s0w_hbm, bounds_v.at[pl.ds(0, SC_WORKERS)])
    pltpu.sync_copy(smaxw_hbm, bounds_v.at[pl.ds(SC_WORKERS, SC_WORKERS)])
    neg = jnp.full((16,), -2147483648, jnp.int32)
    sel = lane == s
    s0v = jnp.where(sel, bounds_v[pl.ds(c * 16, 16)], neg)
    smv = jnp.where(sel, bounds_v[pl.ds(SC_WORKERS + c * 16, 16)], neg)
    base0 = (jnp.max(s0v) // 16) * 16
    smax = jnp.max(smv)
    nwin = (smax - base0) // HW + 1

    plsc.subcore_barrier()

    @pl.loop(0, nwin)
    def _(j):
        wb = base0 + j * HW

        @pl.loop(0, HW // 8)
        def _(k):
            @pl.loop(0, 128, step=16)
            def _(q):
                hist_v[k, pl.ds(q, 16)] = zeros16

        @pl.loop(0, RPW, step=16)
        def _(k):
            idv = ids_v[pl.ds(k, 16)]
            rel = idv - wb
            flat = (rel * 16) + lane
            rowi = flat // 128
            coli = flat - rowi * 128
            msk = (rel >= 0) & (rel < HW)
            plsc.addupdate_scatter(hist_v, [rowi, coli], ones16, mask=msk)

        @pl.loop(0, HW // 8, step=16)
        def _(k):
            idxr_v[0, pl.ds(k, 16)] = (wb // 8) + k + lane

        pltpu.sync_copy(hist_v, shared.at[idxr_v.at[0]], add=True)

    plsc.subcore_barrier()
    pltpu.sync_copy(shared.at[pl.ds(s * STRIPE, STRIPE), :],
                    out_hbm.at[c, pl.ds(s * STRIPE, STRIPE), :])


def _sc_counts(bi, s0w, smaxw):
    cp = pltpu.CompilerParams()
    if "needs_layout_passes" in pltpu.CompilerParams.__dataclass_fields__:
        cp = dataclasses.replace(cp, needs_layout_passes=False)
    kern = pl.kernel(
        _counts_kernel,
        compiler_params=cp,
        out_type=jax.ShapeDtypeStruct((SC_CORES, NSCR, 128), jnp.float32),
        mesh=plsc.VectorSubcoreMesh(core_axis_name="c", subcore_axis_name="s", num_cores=1),
        scratch_types=[
            pltpu.VMEM((RPW,), jnp.int32),
            pltpu.VMEM((HW // 8, 128), jnp.float32),
            pltpu.VMEM((1, HW // 8), jnp.int32),
            pltpu.VMEM((STRIPE, 128), jnp.float32),
            pltpu.VMEM((2 * SC_WORKERS,), jnp.int32),
            pltpu.VMEM_SHARED((NSCR, 128), jnp.float32),
        ],
    )
    return kern(bi, s0w, smaxw)


def _seg_kernel(s0_ref, smax_ref, ids_ref, x_ref, w1t_ref, b1_ref,
                cnt_ref, w2t_ref, b2_ref, out_ref, sums_scr):
    i = pl.program_id(0)

    @pl.when(i == 0)
    def _():
        sums_scr[...] = jnp.zeros_like(sums_scr)

    xb = x_ref[...].astype(jnp.bfloat16)
    h = jnp.dot(xb, w1t_ref[...], preferred_element_type=jnp.float32)
    hb = jnp.maximum(h + b1_ref[...], 0).astype(jnp.bfloat16)

    ids = ids_ref[0]
    a0 = (s0_ref[i] // 8) * 8
    smax = smax_ref[i]
    nwin = (smax - a0) // KP + 1

    def win(j, carry):
        base = a0 + j * KP
        pos = ids - base
        row = jax.lax.broadcasted_iota(jnp.int32, (KP, B), 0)
        oh = row == pos
        ohf = oh.astype(jnp.bfloat16)
        ls = jax.lax.dot_general(ohf, hb, (((1,), (0,)), ((), ())),
                                 preferred_element_type=jnp.float32)
        sums_scr[pl.ds(base, KP), :] += ls
        return carry

    jax.lax.fori_loop(0, nwin, win, 0)

    @pl.when(i == NB - 1)
    def _():
        RH = NSP // 4
        for q in range(4):
            rows = pl.ds(q * RH, RH)
            counts = jnp.sum(cnt_ref[0, rows, :], axis=1, keepdims=True)
            mean = sums_scr[rows, :] / jnp.maximum(counts, 1.0)
            o = jnp.dot(mean, w2t_ref[...], preferred_element_type=jnp.float32)
            out_ref[rows, :] = jnp.maximum(o + b2_ref[...], 0.0)


def kernel(x, batch_index, W1, b1, W2, b2):
    bi = batch_index.astype(jnp.int32)
    s0 = bi[::B]
    smax = bi[B - 1::B]
    ids3 = bi.reshape(NB, 1, B)

    counts2 = _sc_counts(bi, bi[::RPW], bi[RPW - 1::RPW])
    counts2 = counts2.reshape(SC_CORES, NSP, 16)

    grid_spec = pltpu.PrefetchScalarGridSpec(
        num_scalar_prefetch=2,
        grid=(NB,),
        in_specs=[
            pl.BlockSpec((1, 1, B), lambda i, *_: (i, 0, 0)),
            pl.BlockSpec((B, R_IN), lambda i, *_: (i, 0)),
            pl.BlockSpec((R_IN, R_OUT), lambda i, *_: (0, 0)),
            pl.BlockSpec((1, R_OUT), lambda i, *_: (0, 0)),
            pl.BlockSpec((1, NSP, 16), lambda i, *_: (0, 0, 0)),
            pl.BlockSpec((R_OUT, C_OUT), lambda i, *_: (0, 0)),
            pl.BlockSpec((1, C_OUT), lambda i, *_: (0, 0)),
        ],
        out_specs=[
            pl.BlockSpec((NSP, C_OUT), lambda i, *_: (0, 0)),
        ],
        scratch_shapes=[pltpu.VMEM((NSP, R_OUT), jnp.float32)],
    )
    out = pl.pallas_call(
        _seg_kernel,
        grid_spec=grid_spec,
        out_shape=[jax.ShapeDtypeStruct((NSP, C_OUT), jnp.float32)],
    )(s0, smax, ids3, x, W1.T.astype(jnp.bfloat16), b1.reshape(1, R_OUT),
      counts2, W2.T, b2.reshape(1, C_OUT))[0]
    return out[:NS]

# --- scband reference (transcript-rebuilt; emitter-appended) ---
"""Pipeline reference for scband-ndeye-79010218377373 (READ-ONLY COPY).

The authoritative reference and input builder live on the scoring server;
editing this copy changes nothing except your own understanding.
"""

import jax, jax.numpy as jnp
import numpy as np

N = 320000
R_IN = 128
R_OUT = 256
C_OUT = 256
NUM_SEGMENTS = 10000


def setup_inputs(seed: int = 0) -> dict:
    key = jax.random.key(seed)
    k_x, k_idx, k_w1, k_b1, k_w2, k_b2 = jax.random.split(key, 6)
    x = jax.random.normal(k_x, (N, R_IN), dtype=jnp.float32)
    batch_index = jnp.sort(jax.random.randint(k_idx, (N,), 0, NUM_SEGMENTS, dtype=jnp.int64))
    # r_linear: Linear(R_IN, R_OUT)
    W1 = jax.random.normal(k_w1, (R_OUT, R_IN), dtype=jnp.float32) * (1.0 / np.sqrt(R_IN))
    b1 = jax.random.normal(k_b1, (R_OUT,), dtype=jnp.float32) * (1.0 / np.sqrt(R_IN))
    # c_linear: Linear(R_OUT, C_OUT)
    W2 = jax.random.normal(k_w2, (C_OUT, R_OUT), dtype=jnp.float32) * (1.0 / np.sqrt(R_OUT))
    b2 = jax.random.normal(k_b2, (C_OUT,), dtype=jnp.float32) * (1.0 / np.sqrt(R_OUT))
    return {"x": x, "batch_index": batch_index, "W1": W1, "b1": b1, "W2": W2, "b2": b2}


def reference(x, batch_index, W1, b1, W2, b2):
    # x = relu(r_linear(x))
    h = jax.nn.relu(x @ W1.T + b1)
    # scatter(x, batch_index, dim=0, reduce='mean')
    sums = jax.ops.segment_sum(h, batch_index, num_segments=NUM_SEGMENTS)
    counts = jax.ops.segment_sum(jnp.ones((h.shape[0],), dtype=h.dtype), batch_index, num_segments=NUM_SEGMENTS)
    mean = sums / jnp.maximum(counts, 1.0)[:, None]
    # relu(c_linear(mean))
    out = jax.nn.relu(mean @ W2.T + b2)
    return out

if __name__ == "__main__":
    import jax
    _d = setup_inputs()
    print(jax.jit(kernel)(*tuple(_d.values())))

</pallas_src>

<mosaic_0001>
#map = affine_map<(d0, d1) -> (0)>
#map1 = affine_map<(d0, d1) -> (0, 0, 0)>
module attributes {stable_mosaic.version = 14 : i64} {
  func.func @_counts_kernel(%arg0: i32, %arg1: i32, %arg2: memref<320000xi32, #tpu.memory_space<hbm>>, %arg3: memref<16xi32, #tpu.memory_space<hbm>>, %arg4: memref<16xi32, #tpu.memory_space<hbm>>, %arg5: memref<1x1408x128xf32, #tpu.memory_space<hbm>>, %arg6: memref<20000xi32, #tpu.memory_space<vmem>>, %arg7: memref<64x128xf32, #tpu.memory_space<vmem>>, %arg8: memref<1x64xi32, #tpu.memory_space<vmem>>, %arg9: memref<88x128xf32, #tpu.memory_space<vmem>>, %arg10: memref<32xi32, #tpu.memory_space<vmem>>, %arg11: memref<1408x128xf32, #tpu.memory_space<vmem_shared>>) attributes {dimension_semantics = [#tpu.dimension_semantics<core_parallel>, #tpu.dimension_semantics<subcore_parallel>], iteration_bounds = array<i64: 1, 16>, scalar_prefetch = 0 : i64, scratch_operands = 6 : i64, tpu.core_type = #tpu.core_type<sc_vector_subcore>, window_params = [{transform_indices = #map}, {transform_indices = #map}, {transform_indices = #map}, {transform_indices = #map1}]} {
    %mul3A = arith.constant 16 : i32
    %mul3A_0 = arith.muli %arg0, %mul3A : i32
    %add3A = arith.addi %mul3A_0, %arg1 : i32
    %iota3A = tpu.iota {dimensions = array<i32: 0>} : vector<16xi32>
    %broadcast_in_dim3A = arith.constant 0.000000e+00 : f32
    %broadcast_in_dim3A_1 = vector.broadcast %broadcast_in_dim3A : f32 to vector<16xf32>
    %broadcast_in_dim3A_2 = arith.constant 1.000000e+00 : f32
    %broadcast_in_dim3A_3 = vector.broadcast %broadcast_in_dim3A_2 : f32 to vector<16xf32>
    %scan3A = arith.constant 0 : i32
    %scan3A_4 = arith.constant 88 : i32
    %scan3A_5 = arith.addi %scan3A, %scan3A_4 : i32
    %scan3A_6 = arith.constant 1 : i32
    scf.for %scan3A_109 = %scan3A to %scan3A_5 step %scan3A_6  : i32 {
      %mul3A_110 = arith.constant 1 : i32
      %mul3A_111 = arith.muli %scan3A_109, %mul3A_110 : i32
      %add3A_112 = arith.constant 0 : i32
      %add3A_113 = arith.addi %add3A_112, %mul3A_111 : i32
      %scan3A_114 = arith.constant 0 : i32
      %scan3A_115 = arith.constant 8 : i32
      %scan3A_116 = arith.addi %scan3A_114, %scan3A_115 : i32
      %scan3A_117 = arith.constant 1 : i32
      scf.for %scan3A_119 = %scan3A_114 to %scan3A_116 step %scan3A_117  : i32 {
        %mul3A_120 = arith.constant 16 : i32
        %mul3A_121 = arith.muli %scan3A_119, %mul3A_120 : i32
        %add3A_122 = arith.constant 0 : i32
        %add3A_123 = arith.addi %add3A_122, %mul3A_121 : i32
        %swap3A = arith.index_cast %add3A_113 : i32 to index
        %swap3A_124 = arith.index_cast %add3A_123 : i32 to index
        %swap3A_125 = tpu.vector_load %arg9[%swap3A, %swap3A_124] {strides = array<i32>} : memref<88x128xf32, #tpu.memory_space<vmem>>, vector<16xf32>,
        tpu.vector_store %arg9[%swap3A, %swap3A_124], %broadcast_in_dim3A_1 {strides = array<i32>} : memref<88x128xf32, #tpu.memory_space<vmem>>, vector<16xf32>,
      }
      %scan3A_118 = arith.constant 8 : i32
    }
    %scan3A_7 = arith.constant 88 : i32
    %mul3A_8 = arith.constant 88 : i32
    %mul3A_9 = arith.muli %arg1, %mul3A_8 : i32
    "tpu.region"() ({
      %run_scoped3A = tpu.sem_alloc : memref<!tpu.dma_semaphore, #tpu.memory_space<semaphore_mem>>
      %dma_start3A = arith.constant 0 : i32
      %dma_start3A_109 = tpu.memref_slice %arg11[%mul3A_9, %dma_start3A] : memref<1408x128xf32, #tpu.memory_space<vmem_shared>> -> memref<88x128xf32, #tpu.memory_space<vmem_shared>>
      %dma_start3A_110 = arith.constant 0 : i32
      %dma_start3A_111 = tpu.memref_slice %arg11[%mul3A_9, %dma_start3A_110] : memref<1408x128xf32, #tpu.memory_space<vmem_shared>> -> memref<88x128xf32, #tpu.memory_space<vmem_shared>>
      tpu.enqueue_dma source(%arg9 : memref<88x128xf32, #tpu.memory_space<vmem>>) target(%dma_start3A_111 : memref<88x128xf32, #tpu.memory_space<vmem_shared>>) target_semaphore(%run_scoped3A : memref<!tpu.dma_semaphore, #tpu.memory_space<semaphore_mem>>)
      %dma_wait3A = arith.constant 0 : i32
      %dma_wait3A_112 = tpu.memref_slice %arg11[%mul3A_9, %dma_wait3A] : memref<1408x128xf32, #tpu.memory_space<vmem_shared>> -> memref<88x128xf32, #tpu.memory_space<vmem_shared>>
      %dma_wait3A_113 = arith.constant 0 : i32
      %dma_wait3A_114 = tpu.memref_slice %arg11[%mul3A_9, %dma_wait3A_113] : memref<1408x128xf32, #tpu.memory_space<vmem_shared>> -> memref<88x128xf32, #tpu.memory_space<vmem_shared>>
      tpu.wait_dma2 semaphore(%run_scoped3A : memref<!tpu.dma_semaphore, #tpu.memory_space<semaphore_mem>>) src(%arg9 : memref<88x128xf32, #tpu.memory_space<vmem>>) dst(%dma_wait3A_114 : memref<88x128xf32, #tpu.memory_space<vmem_shared>>)
      tpu.yield
    }) : () -> ()
    %mul3A_10 = arith.constant 20000 : i32
    %mul3A_11 = arith.muli %add3A, %mul3A_10 : i32
    "tpu.region"() ({
      %run_scoped3A = tpu.sem_alloc : memref<!tpu.dma_semaphore, #tpu.memory_space<semaphore_mem>>
      %dma_start3A = tpu.memref_slice %arg2[%mul3A_11] : memref<320000xi32, #tpu.memory_space<hbm>> -> memref<20000xi32, #tpu.memory_space<hbm>>
      %dma_start3A_109 = tpu.memref_slice %arg2[%mul3A_11] : memref<320000xi32, #tpu.memory_space<hbm>> -> memref<20000xi32, #tpu.memory_space<hbm>>
      tpu.enqueue_dma source(%dma_start3A_109 : memref<20000xi32, #tpu.memory_space<hbm>>) target(%arg6 : memref<20000xi32, #tpu.memory_space<vmem>>) target_semaphore(%run_scoped3A : memref<!tpu.dma_semaphore, #tpu.memory_space<semaphore_mem>>)
      %dma_wait3A = tpu.memref_slice %arg2[%mul3A_11] : memref<320000xi32, #tpu.memory_space<hbm>> -> memref<20000xi32, #tpu.memory_space<hbm>>
      %dma_wait3A_110 = tpu.memref_slice %arg2[%mul3A_11] : memref<320000xi32, #tpu.memory_space<hbm>> -> memref<20000xi32, #tpu.memory_space<hbm>>
      tpu.wait_dma2 semaphore(%run_scoped3A : memref<!tpu.dma_semaphore, #tpu.memory_space<semaphore_mem>>) src(%dma_wait3A_110 : memref<20000xi32, #tpu.memory_space<hbm>>) dst(%arg6 : memref<20000xi32, #tpu.memory_space<vmem>>)
      tpu.yield
    }) : () -> ()
    "tpu.region"() ({
      %run_scoped3A = tpu.sem_alloc : memref<!tpu.dma_semaphore, #tpu.memory_space<semaphore_mem>>
      %dma_start3A = arith.constant 0 : i32
      %dma_start3A_109 = tpu.memref_slice %arg10[%dma_start3A] : memref<32xi32, #tpu.memory_space<vmem>> -> memref<16xi32, #tpu.memory_space<vmem>>
      %dma_start3A_110 = arith.constant 0 : i32
      %dma_start3A_111 = tpu.memref_slice %arg10[%dma_start3A_110] : memref<32xi32, #tpu.memory_space<vmem>> -> memref<16xi32, #tpu.memory_space<vmem>>
      tpu.enqueue_dma source(%arg3 : memref<16xi32, #tpu.memory_space<hbm>>) target(%dma_start3A_111 : memref<16xi32, #tpu.memory_space<vmem>>) target_semaphore(%run_scoped3A : memref<!tpu.dma_semaphore, #tpu.memory_space<semaphore_mem>>)
      %dma_wait3A = arith.constant 0 : i32
      %dma_wait3A_112 = tpu.memref_slice %arg10[%dma_wait3A] : memref<32xi32, #tpu.memory_space<vmem>> -> memref<16xi32, #tpu.memory_space<vmem>>
      %dma_wait3A_113 = arith.constant 0 : i32
      %dma_wait3A_114 = tpu.memref_slice %arg10[%dma_wait3A_113] : memref<32xi32, #tpu.memory_space<vmem>> -> memref<16xi32, #tpu.memory_space<vmem>>
      tpu.wait_dma2 semaphore(%run_scoped3A : memref<!tpu.dma_semaphore, #tpu.memory_space<semaphore_mem>>) src(%arg3 : memref<16xi32, #tpu.memory_space<hbm>>) dst(%dma_wait3A_114 : memref<16xi32, #tpu.memory_space<vmem>>)
      tpu.yield
    }) : () -> ()
    "tpu.region"() ({
      %run_scoped3A = tpu.sem_alloc : memref<!tpu.dma_semaphore, #tpu.memory_space<semaphore_mem>>
      %dma_start3A = arith.constant 16 : i32
      %dma_start3A_109 = tpu.memref_slice %arg10[%dma_start3A] : memref<32xi32, #tpu.memory_space<vmem>> -> memref<16xi32, #tpu.memory_space<vmem>>
      %dma_start3A_110 = arith.constant 16 : i32
      %dma_start3A_111 = tpu.memref_slice %arg10[%dma_start3A_110] : memref<32xi32, #tpu.memory_space<vmem>> -> memref<16xi32, #tpu.memory_space<vmem>>
      tpu.enqueue_dma source(%arg4 : memref<16xi32, #tpu.memory_space<hbm>>) target(%dma_start3A_111 : memref<16xi32, #tpu.memory_space<vmem>>) target_semaphore(%run_scoped3A : memref<!tpu.dma_semaphore, #tpu.memory_space<semaphore_mem>>)
      %dma_wait3A = arith.constant 16 : i32
      %dma_wait3A_112 = tpu.memref_slice %arg10[%dma_wait3A] : memref<32xi32, #tpu.memory_space<vmem>> -> memref<16xi32, #tpu.memory_space<vmem>>
      %dma_wait3A_113 = arith.constant 16 : i32
      %dma_wait3A_114 = tpu.memref_slice %arg10[%dma_wait3A_113] : memref<32xi32, #tpu.memory_space<vmem>> -> memref<16xi32, #tpu.memory_space<vmem>>
      tpu.wait_dma2 semaphore(%run_scoped3A : memref<!tpu.dma_semaphore, #tpu.memory_space<semaphore_mem>>) src(%arg4 : memref<16xi32, #tpu.memory_space<hbm>>) dst(%dma_wait3A_114 : memref<16xi32, #tpu.memory_space<vmem>>)
      tpu.yield
    }) : () -> ()
    %broadcast_in_dim3A_12 = arith.constant -2147483648 : i32
    %broadcast_in_dim3A_13 = vector.broadcast %broadcast_in_dim3A_12 : i32 to vector<16xi32>
    %eq3A = vector.broadcast %arg1 : i32 to vector<16xi32>
    %eq3A_14 = arith.cmpi eq, %iota3A, %eq3A : vector<16xi32>
    %mul3A_15 = arith.constant 16 : i32
    %mul3A_16 = arith.muli %arg0, %mul3A_15 : i32
    %get3A = arith.index_cast %mul3A_16 : i32 to index
    %get3A_17 = tpu.vector_load %arg10[%get3A] {strides = array<i32>} : memref<32xi32, #tpu.memory_space<vmem>>, vector<16xi32>,
    %select_n3A = arith.select %eq3A_14, %get3A_17, %broadcast_in_dim3A_13 : vector<16xi1>, vector<16xi32>
    %mul3A_18 = arith.constant 16 : i32
    %mul3A_19 = arith.muli %arg0, %mul3A_18 : i32
    %add3A_20 = arith.constant 16 : i32
    %add3A_21 = arith.addi %add3A_20, %mul3A_19 : i32
    %get3A_22 = arith.index_cast %add3A_21 : i32 to index
    %get3A_23 = tpu.vector_load %arg10[%get3A_22] {strides = array<i32>} : memref<32xi32, #tpu.memory_space<vmem>>, vector<16xi32>,
    %select_n3A_24 = arith.select %eq3A_14, %get3A_23, %broadcast_in_dim3A_13 : vector<16xi1>, vector<16xi32>
    %reduce_max3A = arith.constant true
    %reduce_max3A_25 = vector.broadcast %reduce_max3A : i1 to vector<16xi1>
    %reduce_max3A_26 = arith.constant -2147483648 : i32
    %reduce_max3A_27 = vector.broadcast %reduce_max3A_26 : i32 to vector<16xi32>
    %reduce_max3A_28 = arith.xori %select_n3A, %reduce_max3A_27 : vector<16xi32>
    %reduce_max3A_29 = tpu.scan <max>, %reduce_max3A_28 masked %reduce_max3A_25 : vector<16xi32>, vector<16xi1> -> vector<16xi32>
    %reduce_max3A_30 = arith.xori %reduce_max3A_29, %reduce_max3A_27 : vector<16xi32>
    %reduce_max3A_31 = vector.extract %reduce_max3A_30[15] : i32 from vector<16xi32>
    %jit3A = arith.constant 16 : i32
    %div3A = arith.divsi %reduce_max3A_31, %jit3A : i32
    %sign3A = arith.constant 0 : i32
    %sign3A_32 = arith.cmpi sgt, %reduce_max3A_31, %sign3A : i32
    %sign3A_33 = arith.extui %sign3A_32 : i1 to i32
    %sign3A_34 = arith.constant 0 : i32
    %sign3A_35 = arith.cmpi slt, %reduce_max3A_31, %sign3A_34 : i32
    %sign3A_36 = arith.extui %sign3A_35 : i1 to i32
    %sign3A_37 = arith.subi %sign3A_33, %sign3A_36 : i32
    %sign3A_38 = arith.constant 0 : i32
    %sign3A_39 = arith.cmpi sgt, %jit3A, %sign3A_38 : i32
    %sign3A_40 = arith.extui %sign3A_39 : i1 to i32
    %sign3A_41 = arith.constant 0 : i32
    %sign3A_42 = arith.cmpi slt, %jit3A, %sign3A_41 : i32
    %sign3A_43 = arith.extui %sign3A_42 : i1 to i32
    %sign3A_44 = arith.subi %sign3A_40, %sign3A_43 : i32
    %ne3A = arith.cmpi ne, %sign3A_37, %sign3A_44 : i32
    %rem3A = arith.remsi %reduce_max3A_31, %jit3A : i32
    %ne3A_45 = arith.constant 0 : i32
    %ne3A_46 = arith.cmpi ne, %rem3A, %ne3A_45 : i32
    %and3A = arith.andi %ne3A, %ne3A_46 : i1
    %sub3A = arith.constant 1 : i32
    %sub3A_47 = arith.subi %div3A, %sub3A : i32
    %select_n3A_48 = arith.select %and3A, %sub3A_47, %div3A : i32
    %mul3A_49 = arith.constant 16 : i32
    %mul3A_50 = arith.muli %select_n3A_48, %mul3A_49 : i32
    %reduce_max3A_51 = arith.constant true
    %reduce_max3A_52 = vector.broadcast %reduce_max3A_51 : i1 to vector<16xi1>
    %reduce_max3A_53 = arith.constant -2147483648 : i32
    %reduce_max3A_54 = vector.broadcast %reduce_max3A_53 : i32 to vector<16xi32>
    %reduce_max3A_55 = arith.xori %select_n3A_24, %reduce_max3A_54 : vector<16xi32>
    %reduce_max3A_56 = tpu.scan <max>, %reduce_max3A_55 masked %reduce_max3A_52 : vector<16xi32>, vector<16xi1> -> vector<16xi32>
    %reduce_max3A_57 = arith.xori %reduce_max3A_56, %reduce_max3A_54 : vector<16xi32>
    %reduce_max3A_58 = vector.extract %reduce_max3A_57[15] : i32 from vector<16xi32>
    %sub3A_59 = arith.subi %reduce_max3A_58, %mul3A_50 : i32
    %jit3A_60 = arith.constant 512 : i32
    %div3A_61 = arith.divsi %sub3A_59, %jit3A_60 : i32
    %sign3A_62 = arith.constant 0 : i32
    %sign3A_63 = arith.cmpi sgt, %sub3A_59, %sign3A_62 : i32
    %sign3A_64 = arith.extui %sign3A_63 : i1 to i32
    %sign3A_65 = arith.constant 0 : i32
    %sign3A_66 = arith.cmpi slt, %sub3A_59, %sign3A_65 : i32
    %sign3A_67 = arith.extui %sign3A_66 : i1 to i32
    %sign3A_68 = arith.subi %sign3A_64, %sign3A_67 : i32
    %sign3A_69 = arith.constant 0 : i32
    %sign3A_70 = arith.cmpi sgt, %jit3A_60, %sign3A_69 : i32
    %sign3A_71 = arith.extui %sign3A_70 : i1 to i32
    %sign3A_72 = arith.constant 0 : i32
    %sign3A_73 = arith.cmpi slt, %jit3A_60, %sign3A_72 : i32
    %sign3A_74 = arith.extui %sign3A_73 : i1 to i32
    %sign3A_75 = arith.subi %sign3A_71, %sign3A_74 : i32
    %ne3A_76 = arith.cmpi ne, %sign3A_68, %sign3A_75 : i32
    %rem3A_77 = arith.remsi %sub3A_59, %jit3A_60 : i32
    %ne3A_78 = arith.constant 0 : i32
    %ne3A_79 = arith.cmpi ne, %rem3A_77, %ne3A_78 : i32
    %and3A_80 = arith.andi %ne3A_76, %ne3A_79 : i1
    %sub3A_81 = arith.constant 1 : i32
    %sub3A_82 = arith.subi %div3A_61, %sub3A_81 : i32
    %select_n3A_83 = arith.select %and3A_80, %sub3A_82, %div3A_61 : i32
    %add3A_84 = arith.constant 1 : i32
    %add3A_85 = arith.addi %select_n3A_83, %add3A_84 : i32
    %barrier3A = arith.constant 0 : index
    tpu.barrier barrier_id(%barrier3A)
    %sub3A_86 = arith.constant 0 : i32
    %sub3A_87 = arith.subi %add3A_85, %sub3A_86 : i32
    %sub3A_88 = arith.constant 1 : i32
    %sub3A_89 = arith.constant 1 : i32
    %sub3A_90 = arith.subi %sub3A_88, %sub3A_89 : i32
    %add3A_91 = arith.addi %sub3A_87, %sub3A_90 : i32
    %div3A_92 = arith.constant 1 : i32
    %div3A_93 = arith.divsi %add3A_91, %div3A_92 : i32
    %while3A = arith.constant 1 : i32
    %while3A_94 = arith.constant 0 : i32
    %while3A_95 = arith.constant 0 : i32
    %while3A_96 = arith.subi %div3A_93, %while3A_95 : i32
    %while3A_97 = arith.addi %while3A_95, %while3A_96 : i32
    %while3A_98 = arith.constant 1 : i32
    %while3A_99 = arith.divsi %while3A_96, %while3A_98 : i32
    %while3A_100 = arith.muli %while3A_99, %while3A_98 : i32
    %while3A_101 = arith.addi %while3A_95, %while3A_100 : i32
    %while3A_102 = arith.constant 1 : i32
    scf.for %while3A_109 = %while3A_95 to %while3A_101 step %while3A_102  : i32 {
      %mul3A_110 = arith.muli %while3A_109, %while3A : i32
      %add3A_111 = arith.addi %while3A_94, %mul3A_110 : i32
      %mul3A_112 = arith.constant 512 : i32
      %mul3A_113 = arith.muli %add3A_111, %mul3A_112 : i32
      %add3A_114 = arith.addi %mul3A_50, %mul3A_113 : i32
      %scan3A_115 = arith.constant 0 : i32
      %scan3A_116 = arith.constant 64 : i32
      %scan3A_117 = arith.addi %scan3A_115, %scan3A_116 : i32
      %scan3A_118 = arith.constant 1 : i32
      scf.for %scan3A_130 = %scan3A_115 to %scan3A_117 step %scan3A_118  : i32 {
        %mul3A_131 = arith.constant 1 : i32
        %mul3A_132 = arith.muli %scan3A_130, %mul3A_131 : i32
        %add3A_133 = arith.constant 0 : i32
        %add3A_134 = arith.addi %add3A_133, %mul3A_132 : i32
        %scan3A_135 = arith.constant 0 : i32
        %scan3A_136 = arith.constant 8 : i32
        %scan3A_137 = arith.addi %scan3A_135, %scan3A_136 : i32
        %scan3A_138 = arith.constant 1 : i32
        scf.for %scan3A_140 = %scan3A_135 to %scan3A_137 step %scan3A_138  : i32 {
          %mul3A_141 = arith.constant 16 : i32
          %mul3A_142 = arith.muli %scan3A_140, %mul3A_141 : i32
          %add3A_143 = arith.constant 0 : i32
          %add3A_144 = arith.addi %add3A_143, %mul3A_142 : i32
          %swap3A = arith.index_cast %add3A_134 : i32 to index
          %swap3A_145 = arith.index_cast %add3A_144 : i32 to index
          %swap3A_146 = tpu.vector_load %arg7[%swap3A, %swap3A_145] {strides = array<i32>} : memref<64x128xf32, #tpu.memory_space<vmem>>, vector<16xf32>,
          tpu.vector_store %arg7[%swap3A, %swap3A_145], %broadcast_in_dim3A_1 {strides = array<i32>} : memref<64x128xf32, #tpu.memory_space<vmem>>, vector<16xf32>,
        }
        %scan3A_139 = arith.constant 8 : i32
      }
      %scan3A_119 = arith.constant 64 : i32
      %scan3A_120 = arith.constant 0 : i32
      %scan3A_121 = arith.constant 1250 : i32
      %scan3A_122 = arith.addi %scan3A_120, %scan3A_121 : i32
      %scan3A_123 = arith.constant 1 : i32
      scf.for %scan3A_130 = %scan3A_120 to %scan3A_122 step %scan3A_123  : i32 {
        %mul3A_131 = arith.constant 16 : i32
        %mul3A_132 = arith.muli %scan3A_130, %mul3A_131 : i32
        %add3A_133 = arith.constant 0 : i32
        %add3A_134 = arith.addi %add3A_133, %mul3A_132 : i32
        %get3A_135 = arith.index_cast %add3A_134 : i32 to index
        %get3A_136 = tpu.vector_load %arg6[%get3A_135] {strides = array<i32>} : memref<20000xi32, #tpu.memory_space<vmem>>, vector<16xi32>,
        %sub3A_137 = vector.broadcast %add3A_114 : i32 to vector<16xi32>
        %sub3A_138 = arith.subi %get3A_136, %sub3A_137 : vector<16xi32>
        %mul3A_139 = arith.constant 16 : i32
        %mul3A_140 = vector.broadcast %mul3A_139 : i32 to vector<16xi32>
        %mul3A_141 = arith.muli %sub3A_138, %mul3A_140 : vector<16xi32>
        %add3A_142 = arith.addi %mul3A_141, %iota3A : vector<16xi32>
        %jit3A_143 = arith.constant 128 : i32
        %div3A_144 = vector.broadcast %jit3A_143 : i32 to vector<16xi32>
        %div3A_145 = arith.divsi %add3A_142, %div3A_144 : vector<16xi32>
        %sign3A_146 = arith.constant 0 : i32
        %sign3A_147 = vector.broadcast %sign3A_146 : i32 to vector<16xi32>
        %sign3A_148 = arith.cmpi sgt, %add3A_142, %sign3A_147 : vector<16xi32>
        %sign3A_149 = arith.extui %sign3A_148 : vector<16xi1> to vector<16xi32>
        %sign3A_150 = arith.constant 0 : i32
        %sign3A_151 = vector.broadcast %sign3A_150 : i32 to vector<16xi32>
        %sign3A_152 = arith.cmpi slt, %add3A_142, %sign3A_151 : vector<16xi32>
        %sign3A_153 = arith.extui %sign3A_152 : vector<16xi1> to vector<16xi32>
        %sign3A_154 = arith.subi %sign3A_149, %sign3A_153 : vector<16xi32>
        %sign3A_155 = arith.constant 0 : i32
        %sign3A_156 = arith.cmpi sgt, %jit3A_143, %sign3A_155 : i32
        %sign3A_157 = arith.extui %sign3A_156 : i1 to i32
        %sign3A_158 = arith.constant 0 : i32
        %sign3A_159 = arith.cmpi slt, %jit3A_143, %sign3A_158 : i32
        %sign3A_160 = arith.extui %sign3A_159 : i1 to i32
        %sign3A_161 = arith.subi %sign3A_157, %sign3A_160 : i32
        %ne3A_162 = vector.broadcast %sign3A_161 : i32 to vector<16xi32>
        %ne3A_163 = arith.cmpi ne, %sign3A_154, %ne3A_162 : vector<16xi32>
        %rem3A_164 = vector.broadcast %jit3A_143 : i32 to vector<16xi32>
        %rem3A_165 = arith.remsi %add3A_142, %rem3A_164 : vector<16xi32>
        %ne3A_166 = arith.constant 0 : i32
        %ne3A_167 = vector.broadcast %ne3A_166 : i32 to vector<16xi32>
        %ne3A_168 = arith.cmpi ne, %rem3A_165, %ne3A_167 : vector<16xi32>
        %and3A_169 = arith.andi %ne3A_163, %ne3A_168 : vector<16xi1>
        %sub3A_170 = arith.constant 1 : i32
        %sub3A_171 = vector.broadcast %sub3A_170 : i32 to vector<16xi32>
        %sub3A_172 = arith.subi %div3A_145, %sub3A_171 : vector<16xi32>
        %select_n3A_173 = arith.select %and3A_169, %sub3A_172, %div3A_145 : vector<16xi1>, vector<16xi32>
        %mul3A_174 = arith.constant 128 : i32
        %mul3A_175 = vector.broadcast %mul3A_174 : i32 to vector<16xi32>
        %mul3A_176 = arith.muli %select_n3A_173, %mul3A_175 : vector<16xi32>
        %sub3A_177 = arith.subi %add3A_142, %mul3A_176 : vector<16xi32>
        %ge3A = arith.constant 0 : i32
        %ge3A_178 = vector.broadcast %ge3A : i32 to vector<16xi32>
        %ge3A_179 = arith.cmpi sge, %sub3A_138, %ge3A_178 : vector<16xi32>
        %lt3A = arith.constant 512 : i32
        %lt3A_180 = vector.broadcast %lt3A : i32 to vector<16xi32>
        %lt3A_181 = arith.cmpi slt, %sub3A_138, %lt3A_180 : vector<16xi32>
        %and3A_182 = arith.andi %ge3A_179, %lt3A_181 : vector<16xi1>
        tpu.vector_store_idx %arg7[%select_n3A_173, %sub3A_177], %broadcast_in_dim3A_3 masked %and3A_182 {add = true} : memref<64x128xf32, #tpu.memory_space<vmem>>[vector<16xi32>, vector<16xi32>], vector<16xf32>, vector<16xi1>
      }
      %scan3A_124 = arith.constant 1250 : i32
      %scan3A_125 = arith.constant 0 : i32
      %scan3A_126 = arith.constant 4 : i32
      %scan3A_127 = arith.addi %scan3A_125, %scan3A_126 : i32
      %scan3A_128 = arith.constant 1 : i32
      scf.for %scan3A_130 = %scan3A_125 to %scan3A_127 step %scan3A_128  : i32 {
        %mul3A_131 = arith.constant 16 : i32
        %mul3A_132 = arith.muli %scan3A_130, %mul3A_131 : i32
        %add3A_133 = arith.constant 0 : i32
        %add3A_134 = arith.addi %add3A_133, %mul3A_132 : i32
        %jit3A_135 = arith.constant 8 : i32
        %div3A_136 = arith.divsi %add3A_114, %jit3A_135 : i32
        %sign3A_137 = arith.constant 0 : i32
        %sign3A_138 = arith.cmpi sgt, %add3A_114, %sign3A_137 : i32
        %sign3A_139 = arith.extui %sign3A_138 : i1 to i32
        %sign3A_140 = arith.constant 0 : i32
        %sign3A_141 = arith.cmpi slt, %add3A_114, %sign3A_140 : i32
        %sign3A_142 = arith.extui %sign3A_141 : i1 to i32
        %sign3A_143 = arith.subi %sign3A_139, %sign3A_142 : i32
        %sign3A_144 = arith.constant 0 : i32
        %sign3A_145 = arith.cmpi sgt, %jit3A_135, %sign3A_144 : i32
        %sign3A_146 = arith.extui %sign3A_145 : i1 to i32
        %sign3A_147 = arith.constant 0 : i32
        %sign3A_148 = arith.cmpi slt, %jit3A_135, %sign3A_147 : i32
        %sign3A_149 = arith.extui %sign3A_148 : i1 to i32
        %sign3A_150 = arith.subi %sign3A_146, %sign3A_149 : i32
        %ne3A_151 = arith.cmpi ne, %sign3A_143, %sign3A_150 : i32
        %rem3A_152 = arith.remsi %add3A_114, %jit3A_135 : i32
        %ne3A_153 = arith.constant 0 : i32
        %ne3A_154 = arith.cmpi ne, %rem3A_152, %ne3A_153 : i32
        %and3A_155 = arith.andi %ne3A_151, %ne3A_154 : i1
        %sub3A_156 = arith.constant 1 : i32
        %sub3A_157 = arith.subi %div3A_136, %sub3A_156 : i32
        %select_n3A_158 = arith.select %and3A_155, %sub3A_157, %div3A_136 : i32
        %add3A_159 = arith.addi %select_n3A_158, %add3A_134 : i32
        %add3A_160 = vector.broadcast %add3A_159 : i32 to vector<16xi32>
        %add3A_161 = arith.addi %add3A_160, %iota3A : vector<16xi32>
        %swap3A = arith.constant 0 : i32
        %swap3A_162 = arith.index_cast %swap3A : i32 to index
        %swap3A_163 = arith.index_cast %add3A_134 : i32 to index
        %swap3A_164 = tpu.vector_load %arg8[%swap3A_162, %swap3A_163] {strides = array<i32>} : memref<1x64xi32, #tpu.memory_space<vmem>>, vector<16xi32>,
        tpu.vector_store %arg8[%swap3A_162, %swap3A_163], %add3A_161 {strides = array<i32>} : memref<1x64xi32, #tpu.memory_space<vmem>>, vector<16xi32>,
      }
      %scan3A_129 = arith.constant 4 : i32
      %run_scoped3A = arith.constant 0 : i32
      "tpu.region"() ({
        %run_scoped3A_130 = tpu.sem_alloc : memref<!tpu.dma_semaphore, #tpu.memory_space<semaphore_mem>>
        %dma_start3A = arith.constant 0 : i32
        %dma_start3A_131 = tpu.memref_slice %arg8[%run_scoped3A, %dma_start3A] : memref<1x64xi32, #tpu.memory_space<vmem>> -> memref<1x64xi32, #tpu.memory_space<vmem>>
        %dma_start3A_132 = tpu.memref_squeeze %dma_start3A_131 : memref<1x64xi32, #tpu.memory_space<vmem>> -> memref<64xi32, #tpu.memory_space<vmem>>
        %dma_start3A_133 = arith.constant 0 : i32
        %dma_start3A_134 = arith.constant 0 : i32
        %dma_start3A_135 = tpu.memref_slice %arg11[%dma_start3A_133, %dma_start3A_134] : memref<1408x128xf32, #tpu.memory_space<vmem_shared>> -> memref<1408x128xf32, #tpu.memory_space<vmem_shared>>
        tpu.enqueue_indirect_dma source(%arg7 : memref<64x128xf32, #tpu.memory_space<vmem>>) target(%dma_start3A_135 : memref<1408x128xf32, #tpu.memory_space<vmem_shared>>) offsets(%dma_start3A_132 : memref<64xi32, #tpu.memory_space<vmem>>) semaphore(%run_scoped3A_130 : memref<!tpu.dma_semaphore, #tpu.memory_space<semaphore_mem>>) {add = true}
        %dma_wait3A = arith.constant 0 : i32
        %dma_wait3A_136 = tpu.memref_slice %arg8[%run_scoped3A, %dma_wait3A] : memref<1x64xi32, #tpu.memory_space<vmem>> -> memref<1x64xi32, #tpu.memory_space<vmem>>
        %dma_wait3A_137 = tpu.memref_squeeze %dma_wait3A_136 : memref<1x64xi32, #tpu.memory_space<vmem>> -> memref<64xi32, #tpu.memory_space<vmem>>
        %dma_wait3A_138 = arith.constant 0 : i32
        %dma_wait3A_139 = arith.constant 0 : i32
        %dma_wait3A_140 = tpu.memref_slice %arg11[%dma_wait3A_138, %dma_wait3A_139] : memref<1408x128xf32, #tpu.memory_space<vmem_shared>> -> memref<1408x128xf32, #tpu.memory_space<vmem_shared>>
        tpu.wait_indirect_dma semaphore(%run_scoped3A_130 : memref<!tpu.dma_semaphore, #tpu.memory_space<semaphore_mem>>) src(%arg7 : memref<64x128xf32, #tpu.memory_space<vmem>>) dst(%dma_wait3A_140 : memref<1408x128xf32, #tpu.memory_space<vmem_shared>>)
        tpu.yield
      }) : () -> ()
    }
    %while3A_103 = arith.constant 1 : i32
    scf.for %while3A_109 = %while3A_101 to %while3A_97 step %while3A_103  : i32 {
      %mul3A_110 = arith.muli %while3A_109, %while3A : i32
      %add3A_111 = arith.addi %while3A_94, %mul3A_110 : i32
      %mul3A_112 = arith.constant 512 : i32
      %mul3A_113 = arith.muli %add3A_111, %mul3A_112 : i32
      %add3A_114 = arith.addi %mul3A_50, %mul3A_113 : i32
      %scan3A_115 = arith.constant 0 : i32
      %scan3A_116 = arith.constant 64 : i32
      %scan3A_117 = arith.addi %scan3A_115, %scan3A_116 : i32
      %scan3A_118 = arith.constant 1 : i32
      scf.for %scan3A_130 = %scan3A_115 to %scan3A_117 step %scan3A_118  : i32 {
        %mul3A_131 = arith.constant 1 : i32
        %mul3A_132 = arith.muli %scan3A_130, %mul3A_131 : i32
        %add3A_133 = arith.constant 0 : i32
        %add3A_134 = arith.addi %add3A_133, %mul3A_132 : i32
        %scan3A_135 = arith.constant 0 : i32
        %scan3A_136 = arith.constant 8 : i32
        %scan3A_137 = arith.addi %scan3A_135, %scan3A_136 : i32
        %scan3A_138 = arith.constant 1 : i32
        scf.for %scan3A_140 = %scan3A_135 to %scan3A_137 step %scan3A_138  : i32 {
          %mul3A_141 = arith.constant 16 : i32
          %mul3A_142 = arith.muli %scan3A_140, %mul3A_141 : i32
          %add3A_143 = arith.constant 0 : i32
          %add3A_144 = arith.addi %add3A_143, %mul3A_142 : i32
          %swap3A = arith.index_cast %add3A_134 : i32 to index
          %swap3A_145 = arith.index_cast %add3A_144 : i32 to index
          %swap3A_146 = tpu.vector_load %arg7[%swap3A, %swap3A_145] {strides = array<i32>} : memref<64x128xf32, #tpu.memory_space<vmem>>, vector<16xf32>,
          tpu.vector_store %arg7[%swap3A, %swap3A_145], %broadcast_in_dim3A_1 {strides = array<i32>} : memref<64x128xf32, #tpu.memory_space<vmem>>, vector<16xf32>,
        }
        %scan3A_139 = arith.constant 8 : i32
      }
      %scan3A_119 = arith.constant 64 : i32
      %scan3A_120 = arith.constant 0 : i32
      %scan3A_121 = arith.constant 1250 : i32
      %scan3A_122 = arith.addi %scan3A_120, %scan3A_121 : i32
      %scan3A_123 = arith.constant 1 : i32
      scf.for %scan3A_130 = %scan3A_120 to %scan3A_122 step %scan3A_123  : i32 {
        %mul3A_131 = arith.constant 16 : i32
        %mul3A_132 = arith.muli %scan3A_130, %mul3A_131 : i32
        %add3A_133 = arith.constant 0 : i32
        %add3A_134 = arith.addi %add3A_133, %mul3A_132 : i32
        %get3A_135 = arith.index_cast %add3A_134 : i32 to index
        %get3A_136 = tpu.vector_load %arg6[%get3A_135] {strides = array<i32>} : memref<20000xi32, #tpu.memory_space<vmem>>, vector<16xi32>,
        %sub3A_137 = vector.broadcast %add3A_114 : i32 to vector<16xi32>
        %sub3A_138 = arith.subi %get3A_136, %sub3A_137 : vector<16xi32>
        %mul3A_139 = arith.constant 16 : i32
        %mul3A_140 = vector.broadcast %mul3A_139 : i32 to vector<16xi32>
        %mul3A_141 = arith.muli %sub3A_138, %mul3A_140 : vector<16xi32>
        %add3A_142 = arith.addi %mul3A_141, %iota3A : vector<16xi32>
        %jit3A_143 = arith.constant 128 : i32
        %div3A_144 = vector.broadcast %jit3A_143 : i32 to vector<16xi32>
        %div3A_145 = arith.divsi %add3A_142, %div3A_144 : vector<16xi32>
        %sign3A_146 = arith.constant 0 : i32
        %sign3A_147 = vector.broadcast %sign3A_146 : i32 to vector<16xi32>
        %sign3A_148 = arith.cmpi sgt, %add3A_142, %sign3A_147 : vector<16xi32>
        %sign3A_149 = arith.extui %sign3A_148 : vector<16xi1> to vector<16xi32>
        %sign3A_150 = arith.constant 0 : i32
        %sign3A_151 = vector.broadcast %sign3A_150 : i32 to vector<16xi32>
        %sign3A_152 = arith.cmpi slt, %add3A_142, %sign3A_151 : vector<16xi32>
        %sign3A_153 = arith.extui %sign3A_152 : vector<16xi1> to vector<16xi32>
        %sign3A_154 = arith.subi %sign3A_149, %sign3A_153 : vector<16xi32>
        %sign3A_155 = arith.constant 0 : i32
        %sign3A_156 = arith.cmpi sgt, %jit3A_143, %sign3A_155 : i32
        %sign3A_157 = arith.extui %sign3A_156 : i1 to i32
        %sign3A_158 = arith.constant 0 : i32
        %sign3A_159 = arith.cmpi slt, %jit3A_143, %sign3A_158 : i32
        %sign3A_160 = arith.extui %sign3A_159 : i1 to i32
        %sign3A_161 = arith.subi %sign3A_157, %sign3A_160 : i32
        %ne3A_162 = vector.broadcast %sign3A_161 : i32 to vector<16xi32>
        %ne3A_163 = arith.cmpi ne, %sign3A_154, %ne3A_162 : vector<16xi32>
        %rem3A_164 = vector.broadcast %jit3A_143 : i32 to vector<16xi32>
        %rem3A_165 = arith.remsi %add3A_142, %rem3A_164 : vector<16xi32>
        %ne3A_166 = arith.constant 0 : i32
        %ne3A_167 = vector.broadcast %ne3A_166 : i32 to vector<16xi32>
        %ne3A_168 = arith.cmpi ne, %rem3A_165, %ne3A_167 : vector<16xi32>
        %and3A_169 = arith.andi %ne3A_163, %ne3A_168 : vector<16xi1>
        %sub3A_170 = arith.constant 1 : i32
        %sub3A_171 = vector.broadcast %sub3A_170 : i32 to vector<16xi32>
        %sub3A_172 = arith.subi %div3A_145, %sub3A_171 : vector<16xi32>
        %select_n3A_173 = arith.select %and3A_169, %sub3A_172, %div3A_145 : vector<16xi1>, vector<16xi32>
        %mul3A_174 = arith.constant 128 : i32
        %mul3A_175 = vector.broadcast %mul3A_174 : i32 to vector<16xi32>
        %mul3A_176 = arith.muli %select_n3A_173, %mul3A_175 : vector<16xi32>
        %sub3A_177 = arith.subi %add3A_142, %mul3A_176 : vector<16xi32>
        %ge3A = arith.constant 0 : i32
        %ge3A_178 = vector.broadcast %ge3A : i32 to vector<16xi32>
        %ge3A_179 = arith.cmpi sge, %sub3A_138, %ge3A_178 : vector<16xi32>
        %lt3A = arith.constant 512 : i32
        %lt3A_180 = vector.broadcast %lt3A : i32 to vector<16xi32>
        %lt3A_181 = arith.cmpi slt, %sub3A_138, %lt3A_180 : vector<16xi32>
        %and3A_182 = arith.andi %ge3A_179, %lt3A_181 : vector<16xi1>
        tpu.vector_store_idx %arg7[%select_n3A_173, %sub3A_177], %broadcast_in_dim3A_3 masked %and3A_182 {add = true} : memref<64x128xf32, #tpu.memory_space<vmem>>[vector<16xi32>, vector<16xi32>], vector<16xf32>, vector<16xi1>
      }
      %scan3A_124 = arith.constant 1250 : i32
      %scan3A_125 = arith.constant 0 : i32
      %scan3A_126 = arith.constant 4 : i32
      %scan3A_127 = arith.addi %scan3A_125, %scan3A_126 : i32
      %scan3A_128 = arith.constant 1 : i32
      scf.for %scan3A_130 = %scan3A_125 to %scan3A_127 step %scan3A_128  : i32 {
        %mul3A_131 = arith.constant 16 : i32
        %mul3A_132 = arith.muli %scan3A_130, %mul3A_131 : i32
        %add3A_133 = arith.constant 0 : i32
        %add3A_134 = arith.addi %add3A_133, %mul3A_132 : i32
        %jit3A_135 = arith.constant 8 : i32
        %div3A_136 = arith.divsi %add3A_114, %jit3A_135 : i32
        %sign3A_137 = arith.constant 0 : i32
        %sign3A_138 = arith.cmpi sgt, %add3A_114, %sign3A_137 : i32
        %sign3A_139 = arith.extui %sign3A_138 : i1 to i32
        %sign3A_140 = arith.constant 0 : i32
        %sign3A_141 = arith.cmpi slt, %add3A_114, %sign3A_140 : i32
        %sign3A_142 = arith.extui %sign3A_141 : i1 to i32
        %sign3A_143 = arith.subi %sign3A_139, %sign3A_142 : i32
        %sign3A_144 = arith.constant 0 : i32
        %sign3A_145 = arith.cmpi sgt, %jit3A_135, %sign3A_144 : i32
        %sign3A_146 = arith.extui %sign3A_145 : i1 to i32
        %sign3A_147 = arith.constant 0 : i32
        %sign3A_148 = arith.cmpi slt, %jit3A_135, %sign3A_147 : i32
        %sign3A_149 = arith.extui %sign3A_148 : i1 to i32
        %sign3A_150 = arith.subi %sign3A_146, %sign3A_149 : i32
        %ne3A_151 = arith.cmpi ne, %sign3A_143, %sign3A_150 : i32
        %rem3A_152 = arith.remsi %add3A_114, %jit3A_135 : i32
        %ne3A_153 = arith.constant 0 : i32
        %ne3A_154 = arith.cmpi ne, %rem3A_152, %ne3A_153 : i32
        %and3A_155 = arith.andi %ne3A_151, %ne3A_154 : i1
        %sub3A_156 = arith.constant 1 : i32
        %sub3A_157 = arith.subi %div3A_136, %sub3A_156 : i32
        %select_n3A_158 = arith.select %and3A_155, %sub3A_157, %div3A_136 : i32
        %add3A_159 = arith.addi %select_n3A_158, %add3A_134 : i32
        %add3A_160 = vector.broadcast %add3A_159 : i32 to vector<16xi32>
        %add3A_161 = arith.addi %add3A_160, %iota3A : vector<16xi32>
        %swap3A = arith.constant 0 : i32
        %swap3A_162 = arith.index_cast %swap3A : i32 to index
        %swap3A_163 = arith.index_cast %add3A_134 : i32 to index
        %swap3A_164 = tpu.vector_load %arg8[%swap3A_162, %swap3A_163] {strides = array<i32>} : memref<1x64xi32, #tpu.memory_space<vmem>>, vector<16xi32>,
        tpu.vector_store %arg8[%swap3A_162, %swap3A_163], %add3A_161 {strides = array<i32>} : memref<1x64xi32, #tpu.memory_space<vmem>>, vector<16xi32>,
      }
      %scan3A_129 = arith.constant 4 : i32
      %run_scoped3A = arith.constant 0 : i32
      "tpu.region"() ({
        %run_scoped3A_130 = tpu.sem_alloc : memref<!tpu.dma_semaphore, #tpu.memory_space<semaphore_mem>>
        %dma_start3A = arith.constant 0 : i32
        %dma_start3A_131 = tpu.memref_slice %arg8[%run_scoped3A, %dma_start3A] : memref<1x64xi32, #tpu.memory_space<vmem>> -> memref<1x64xi32, #tpu.memory_space<vmem>>
        %dma_start3A_132 = tpu.memref_squeeze %dma_start3A_131 : memref<1x64xi32, #tpu.memory_space<vmem>> -> memref<64xi32, #tpu.memory_space<vmem>>
        %dma_start3A_133 = arith.constant 0 : i32
        %dma_start3A_134 = arith.constant 0 : i32
        %dma_start3A_135 = tpu.memref_slice %arg11[%dma_start3A_133, %dma_start3A_134] : memref<1408x128xf32, #tpu.memory_space<vmem_shared>> -> memref<1408x128xf32, #tpu.memory_space<vmem_shared>>
        tpu.enqueue_indirect_dma source(%arg7 : memref<64x128xf32, #tpu.memory_space<vmem>>) target(%dma_start3A_135 : memref<1408x128xf32, #tpu.memory_space<vmem_shared>>) offsets(%dma_start3A_132 : memref<64xi32, #tpu.memory_space<vmem>>) semaphore(%run_scoped3A_130 : memref<!tpu.dma_semaphore, #tpu.memory_space<semaphore_mem>>) {add = true}
        %dma_wait3A = arith.constant 0 : i32
        %dma_wait3A_136 = tpu.memref_slice %arg8[%run_scoped3A, %dma_wait3A] : memref<1x64xi32, #tpu.memory_space<vmem>> -> memref<1x64xi32, #tpu.memory_space<vmem>>
        %dma_wait3A_137 = tpu.memref_squeeze %dma_wait3A_136 : memref<1x64xi32, #tpu.memory_space<vmem>> -> memref<64xi32, #tpu.memory_space<vmem>>
        %dma_wait3A_138 = arith.constant 0 : i32
        %dma_wait3A_139 = arith.constant 0 : i32
        %dma_wait3A_140 = tpu.memref_slice %arg11[%dma_wait3A_138, %dma_wait3A_139] : memref<1408x128xf32, #tpu.memory_space<vmem_shared>> -> memref<1408x128xf32, #tpu.memory_space<vmem_shared>>
        tpu.wait_indirect_dma semaphore(%run_scoped3A_130 : memref<!tpu.dma_semaphore, #tpu.memory_space<semaphore_mem>>) src(%arg7 : memref<64x128xf32, #tpu.memory_space<vmem>>) dst(%dma_wait3A_140 : memref<1408x128xf32, #tpu.memory_space<vmem_shared>>)
        tpu.yield
      }) : () -> ()
    }
    %barrier3A_104 = arith.constant 0 : index
    tpu.barrier barrier_id(%barrier3A_104)
    %mul3A_105 = arith.constant 88 : i32
    %mul3A_106 = arith.muli %arg1, %mul3A_105 : i32
    %mul3A_107 = arith.constant 88 : i32
    %mul3A_108 = arith.muli %arg1, %mul3A_107 : i32
    "tpu.region"() ({
      %run_scoped3A = tpu.sem_alloc : memref<!tpu.dma_semaphore, #tpu.memory_space<semaphore_mem>>
      %dma_start3A = arith.constant 0 : i32
      %dma_start3A_109 = tpu.memref_slice %arg5[%arg0, %mul3A_108, %dma_start3A] : memref<1x1408x128xf32, #tpu.memory_space<hbm>> -> memref<1x88x128xf32, #tpu.memory_space<hbm>>
      %dma_start3A_110 = tpu.memref_squeeze %dma_start3A_109 : memref<1x88x128xf32, #tpu.memory_space<hbm>> -> memref<88x128xf32, #tpu.memory_space<hbm>>
      %dma_start3A_111 = arith.constant 0 : i32
      %dma_start3A_112 = tpu.memref_slice %arg11[%mul3A_106, %dma_start3A_111] : memref<1408x128xf32, #tpu.memory_space<vmem_shared>> -> memref<88x128xf32, #tpu.memory_space<vmem_shared>>
      tpu.enqueue_dma source(%dma_start3A_112 : memref<88x128xf32, #tpu.memory_space<vmem_shared>>) target(%dma_start3A_110 : memref<88x128xf32, #tpu.memory_space<hbm>>) target_semaphore(%run_scoped3A : memref<!tpu.dma_semaphore, #tpu.memory_space<semaphore_mem>>)
      %dma_wait3A = arith.constant 0 : i32
      %dma_wait3A_113 = tpu.memref_slice %arg5[%arg0, %mul3A_108, %dma_wait3A] : memref<1x1408x128xf32, #tpu.memory_space<hbm>> -> memref<1x88x128xf32, #tpu.memory_space<hbm>>
      %dma_wait3A_114 = tpu.memref_squeeze %dma_wait3A_113 : memref<1x88x128xf32, #tpu.memory_space<hbm>> -> memref<88x128xf32, #tpu.memory_space<hbm>>
      %dma_wait3A_115 = arith.constant 0 : i32
      %dma_wait3A_116 = tpu.memref_slice %arg11[%mul3A_106, %dma_wait3A_115] : memref<1408x128xf32, #tpu.memory_space<vmem_shared>> -> memref<88x128xf32, #tpu.memory_space<vmem_shared>>
      tpu.wait_dma2 semaphore(%run_scoped3A : memref<!tpu.dma_semaphore, #tpu.memory_space<semaphore_mem>>) src(%dma_wait3A_116 : memref<88x128xf32, #tpu.memory_space<vmem_shared>>) dst(%dma_wait3A_114 : memref<88x128xf32, #tpu.memory_space<hbm>>)
      tpu.yield
    }) : () -> ()
    return
  }
}

module attributes {stable_mosaic.version = 14 : i64} {
  func.func @_seg_kernel(%arg0: i32, %arg1: memref<50xi32, #tpu.memory_space<smem>>, %arg2: memref<50xi32, #tpu.memory_space<smem>>, %arg3: memref<1x1x6400xi32, #tpu.memory_space<vmem>>, %arg4: memref<6400x128xf32, #tpu.memory_space<vmem>>, %arg5: memref<128x256xbf16, #tpu.memory_space<vmem>>, %arg6: memref<1x256xf32, #tpu.memory_space<vmem>>, %arg7: memref<1x11264x16xf32, #tpu.memory_space<vmem>>, %arg8: memref<256x256xf32, #tpu.memory_space<vmem>>, %arg9: memref<1x256xf32, #tpu.memory_space<vmem>>, %arg10: memref<11264x256xf32, #tpu.memory_space<vmem>>, %arg11: memref<11264x256xf32, #tpu.memory_space<vmem>>) attributes {dimension_semantics = [#tpu.dimension_semantics<arbitrary>], iteration_bounds = array<i64: 50>, scalar_prefetch = 2 : i64, scratch_operands = 1 : i64, tpu.core_type = #tpu.core_type<tc>, window_params = [{transform_indices = @transform_0, window_bounds = array<i64: 1, 1, 6400>}, {transform_indices = @transform_1, window_bounds = array<i64: 6400, 128>}, {pipeline_mode = #tpu.pipeline_mode<synchronous>, transform_indices = @transform_2, window_bounds = array<i64: 128, 256>}, {pipeline_mode = #tpu.pipeline_mode<synchronous>, transform_indices = @transform_3, window_bounds = array<i64: 1, 256>}, {pipeline_mode = #tpu.pipeline_mode<synchronous>, transform_indices = @transform_4, window_bounds = array<i64: 1, 11264, 16>}, {pipeline_mode = #tpu.pipeline_mode<synchronous>, transform_indices = @transform_5, window_bounds = array<i64: 256, 256>}, {pipeline_mode = #tpu.pipeline_mode<synchronous>, transform_indices = @transform_6, window_bounds = array<i64: 1, 256>}, {pipeline_mode = #tpu.pipeline_mode<synchronous>, transform_indices = @transform_7, window_bounds = array<i64: 11264, 256>}]} {
    %eq3A = arith.constant 0 : i32
    %eq3A_0 = arith.cmpi eq, %arg0, %eq3A : i32
    %convert_element_type3A = arith.extui %eq3A_0 : i1 to i32
    %cond3A = arith.constant 0 : i32
    %cond3A_1 = arith.cmpi ne, %convert_element_type3A, %cond3A : i32
    scf.if %cond3A_1 {
      %broadcast_in_dim3A = arith.constant 0.000000e+00 : f32
      %broadcast_in_dim3A_83 = vector.broadcast %broadcast_in_dim3A : f32 to vector<11264x256xf32>
      %swap3A = arith.constant 0 : index
      %swap3A_84 = arith.constant 0 : index
      %swap3A_85 = vector.load %arg11[%swap3A, %swap3A_84] : memref<11264x256xf32, #tpu.memory_space<vmem>>, vector<11264x256xf32>
      tpu.vector_store %arg11[%swap3A, %swap3A_84], %broadcast_in_dim3A_83 {strides = array<i32>} : memref<11264x256xf32, #tpu.memory_space<vmem>>, vector<11264x256xf32>,
    } else {
    }
    %get3A = arith.constant 0 : index
    %get3A_2 = arith.constant 0 : index
    %get3A_3 = vector.load %arg4[%get3A, %get3A_2] : memref<6400x128xf32, #tpu.memory_space<vmem>>, vector<6400x128xf32>
    %convert_element_type3A_4 = arith.truncf %get3A_3 : vector<6400x128xf32> to vector<6400x128xbf16>
    %get3A_5 = arith.constant 0 : index
    %get3A_6 = arith.constant 0 : index
    %get3A_7 = vector.load %arg5[%get3A_5, %get3A_6] : memref<128x256xbf16, #tpu.memory_space<vmem>>, vector<128x256xbf16>
    %dot_general3A = arith.constant dense<0.000000e+00> : vector<6400x256xf32>
    %dot_general3A_8 = tpu.matmul %convert_element_type3A_4, %get3A_7, %dot_general3A {dimension_numbers = #tpu.dot_dimension_numbers<[1], [0], [0], [1], [0, 0, 1, 1], [], []>, transpose_lhs_hint = false} : vector<6400x128xbf16>, vector<128x256xbf16>, vector<6400x256xf32> -> vector<6400x256xf32>
    %get3A_9 = arith.constant 0 : index
    %get3A_10 = arith.constant 0 : index
    %get3A_11 = vector.load %arg6[%get3A_9, %get3A_10] : memref<1x256xf32, #tpu.memory_space<vmem>>, vector<1x256xf32>
    %add3A = vector.broadcast %get3A_11 : vector<1x256xf32> to vector<6400x256xf32>
    %add3A_12 = arith.addf %dot_general3A_8, %add3A : vector<6400x256xf32>
    %max3A = arith.constant 0.000000e+00 : f32
    %max3A_13 = vector.broadcast %max3A : f32 to vector<6400x256xf32>
    %max3A_14 = arith.maximumf %add3A_12, %max3A_13 : vector<6400x256xf32>
    %convert_element_type3A_15 = arith.truncf %max3A_14 : vector<6400x256xf32> to vector<6400x256xbf16>
    %get3A_16 = arith.constant 0 : index
    %get3A_17 = arith.constant 0 : index
    %get3A_18 = arith.constant 0 : index
    %get3A_19 = vector.load %arg3[%get3A_16, %get3A_17, %get3A_18] : memref<1x1x6400xi32, #tpu.memory_space<vmem>>, vector<1x1x6400xi32>
    %get3A_20 = vector.shape_cast %get3A_19 : vector<1x1x6400xi32> to vector<1x6400xi32>
    %get3A_21 = arith.index_cast %arg0 : i32 to index
    %get3A_22 = memref.load %arg1[%get3A_21] : memref<50xi32, #tpu.memory_space<smem>>
    %jit3A = arith.constant 8 : i32
    %div3A = arith.divsi %get3A_22, %jit3A : i32
    %sign3A = arith.constant 0 : i32
    %sign3A_23 = arith.cmpi sgt, %get3A_22, %sign3A : i32
    %sign3A_24 = arith.extui %sign3A_23 : i1 to i32
    %sign3A_25 = arith.constant 0 : i32
    %sign3A_26 = arith.cmpi slt, %get3A_22, %sign3A_25 : i32
    %sign3A_27 = arith.extui %sign3A_26 : i1 to i32
    %sign3A_28 = arith.subi %sign3A_24, %sign3A_27 : i32
    %sign3A_29 = arith.constant 0 : i32
    %sign3A_30 = arith.cmpi sgt, %jit3A, %sign3A_29 : i32
    %sign3A_31 = arith.extui %sign3A_30 : i1 to i32
    %sign3A_32 = arith.constant 0 : i32
    %sign3A_33 = arith.cmpi slt, %jit3A, %sign3A_32 : i32
    %sign3A_34 = arith.extui %sign3A_33 : i1 to i32
    %sign3A_35 = arith.subi %sign3A_31, %sign3A_34 : i32
    %ne3A = arith.cmpi ne, %sign3A_28, %sign3A_35 : i32
    %rem3A = arith.remsi %get3A_22, %jit3A : i32
    %ne3A_36 = arith.constant 0 : i32
    %ne3A_37 = arith.cmpi ne, %rem3A, %ne3A_36 : i32
    %and3A = arith.andi %ne3A, %ne3A_37 : i1
    %sub3A = arith.constant 1 : i32
    %sub3A_38 = arith.subi %div3A, %sub3A : i32
    %select_n3A = arith.select %and3A, %sub3A_38, %div3A : i32
    %mul3A = arith.constant 8 : i32
    %mul3A_39 = arith.muli %select_n3A, %mul3A : i32
    %get3A_40 = arith.index_cast %arg0 : i32 to index
    %get3A_41 = memref.load %arg2[%get3A_40] : memref<50xi32, #tpu.memory_space<smem>>
    %sub3A_42 = arith.subi %get3A_41, %mul3A_39 : i32
    %jit3A_43 = arith.constant 216 : i32
    %div3A_44 = arith.divsi %sub3A_42, %jit3A_43 : i32
    %sign3A_45 = arith.constant 0 : i32
    %sign3A_46 = arith.cmpi sgt, %sub3A_42, %sign3A_45 : i32
    %sign3A_47 = arith.extui %sign3A_46 : i1 to i32
    %sign3A_48 = arith.constant 0 : i32
    %sign3A_49 = arith.cmpi slt, %sub3A_42, %sign3A_48 : i32
    %sign3A_50 = arith.extui %sign3A_49 : i1 to i32
    %sign3A_51 = arith.subi %sign3A_47, %sign3A_50 : i32
    %sign3A_52 = arith.constant 0 : i32
    %sign3A_53 = arith.cmpi sgt, %jit3A_43, %sign3A_52 : i32
    %sign3A_54 = arith.extui %sign3A_53 : i1 to i32
    %sign3A_55 = arith.constant 0 : i32
    %sign3A_56 = arith.cmpi slt, %jit3A_43, %sign3A_55 : i32
    %sign3A_57 = arith.extui %sign3A_56 : i1 to i32
    %sign3A_58 = arith.subi %sign3A_54, %sign3A_57 : i32
    %ne3A_59 = arith.cmpi ne, %sign3A_51, %sign3A_58 : i32
    %rem3A_60 = arith.remsi %sub3A_42, %jit3A_43 : i32
    %ne3A_61 = arith.constant 0 : i32
    %ne3A_62 = arith.cmpi ne, %rem3A_60, %ne3A_61 : i32
    %and3A_63 = arith.andi %ne3A_59, %ne3A_62 : i1
    %sub3A_64 = arith.constant 1 : i32
    %sub3A_65 = arith.subi %div3A_44, %sub3A_64 : i32
    %select_n3A_66 = arith.select %and3A_63, %sub3A_65, %div3A_44 : i32
    %add3A_67 = arith.constant 1 : i32
    %add3A_68 = arith.addi %select_n3A_66, %add3A_67 : i32
    %while3A = arith.constant 0 : i32
    %while3A_69 = arith.constant 0 : i32
    %while3A_70 = arith.subi %add3A_68, %while3A_69 : i32
    %while3A_71 = arith.addi %while3A_69, %while3A_70 : i32
    %while3A_72 = arith.constant 1 : i32
    %while3A_73 = arith.divsi %while3A_70, %while3A_72 : i32
    %while3A_74 = arith.muli %while3A_73, %while3A_72 : i32
    %while3A_75 = arith.addi %while3A_69, %while3A_74 : i32
    %while3A_76 = arith.constant 1 : i32
    scf.for %while3A_83 = %while3A_69 to %while3A_75 step %while3A_76  : i32 {
      %mul3A_84 = arith.constant 216 : i32
      %mul3A_85 = arith.muli %while3A_83, %mul3A_84 : i32
      %add3A_86 = arith.addi %mul3A_39, %mul3A_85 : i32
      %sub3A_87 = vector.broadcast %add3A_86 : i32 to vector<1x6400xi32>
      %sub3A_88 = arith.subi %get3A_20, %sub3A_87 : vector<1x6400xi32>
      %iota3A = tpu.iota {dimensions = array<i32: 0>} : vector<216x6400xi32>
      %eq3A_89 = vector.broadcast %sub3A_88 : vector<1x6400xi32> to vector<216x6400xi32>
      %eq3A_90 = arith.cmpi eq, %iota3A, %eq3A_89 : vector<216x6400xi32>
      %convert_element_type3A_91 = arith.extui %eq3A_90 : vector<216x6400xi1> to vector<216x6400xi32>
      %convert_element_type3A_92 = arith.sitofp %convert_element_type3A_91 : vector<216x6400xi32> to vector<216x6400xf32>
      %convert_element_type3A_93 = arith.truncf %convert_element_type3A_92 : vector<216x6400xf32> to vector<216x6400xbf16>
      %dot_general3A_94 = arith.constant dense<0.000000e+00> : vector<216x256xf32>
      %dot_general3A_95 = tpu.matmul %convert_element_type3A_93, %convert_element_type3A_15, %dot_general3A_94 {dimension_numbers = #tpu.dot_dimension_numbers<[1], [0], [0], [1], [0, 0, 1, 1], [], []>, transpose_lhs_hint = false} : vector<216x6400xbf16>, vector<6400x256xbf16>, vector<216x256xf32> -> vector<216x256xf32>
      %get3A_96 = arith.index_cast %add3A_86 : i32 to index
      %get3A_97 = arith.constant 0 : index
      %get3A_98 = vector.load %arg11[%get3A_96, %get3A_97] : memref<11264x256xf32, #tpu.memory_space<vmem>>, vector<216x256xf32>
      %add3A_99 = arith.addf %get3A_98, %dot_general3A_95 : vector<216x256xf32>
      %swap3A = arith.index_cast %add3A_86 : i32 to index
      %swap3A_100 = arith.constant 0 : index
      %swap3A_101 = vector.load %arg11[%swap3A, %swap3A_100] : memref<11264x256xf32, #tpu.memory_space<vmem>>, vector<216x256xf32>
      tpu.vector_store %arg11[%swap3A, %swap3A_100], %add3A_99 {strides = array<i32>} : memref<11264x256xf32, #tpu.memory_space<vmem>>, vector<216x256xf32>,
    }
    %while3A_77 = arith.constant 1 : i32
    scf.for %while3A_83 = %while3A_75 to %while3A_71 step %while3A_77  : i32 {
      %mul3A_84 = arith.constant 216 : i32
      %mul3A_85 = arith.muli %while3A_83, %mul3A_84 : i32
      %add3A_86 = arith.addi %mul3A_39, %mul3A_85 : i32
      %sub3A_87 = vector.broadcast %add3A_86 : i32 to vector<1x6400xi32>
      %sub3A_88 = arith.subi %get3A_20, %sub3A_87 : vector<1x6400xi32>
      %iota3A = tpu.iota {dimensions = array<i32: 0>} : vector<216x6400xi32>
      %eq3A_89 = vector.broadcast %sub3A_88 : vector<1x6400xi32> to vector<216x6400xi32>
      %eq3A_90 = arith.cmpi eq, %iota3A, %eq3A_89 : vector<216x6400xi32>
      %convert_element_type3A_91 = arith.extui %eq3A_90 : vector<216x6400xi1> to vector<216x6400xi32>
      %convert_element_type3A_92 = arith.sitofp %convert_element_type3A_91 : vector<216x6400xi32> to vector<216x6400xf32>
      %convert_element_type3A_93 = arith.truncf %convert_element_type3A_92 : vector<216x6400xf32> to vector<216x6400xbf16>
      %dot_general3A_94 = arith.constant dense<0.000000e+00> : vector<216x256xf32>
      %dot_general3A_95 = tpu.matmul %convert_element_type3A_93, %convert_element_type3A_15, %dot_general3A_94 {dimension_numbers = #tpu.dot_dimension_numbers<[1], [0], [0], [1], [0, 0, 1, 1], [], []>, transpose_lhs_hint = false} : vector<216x6400xbf16>, vector<6400x256xbf16>, vector<216x256xf32> -> vector<216x256xf32>
      %get3A_96 = arith.index_cast %add3A_86 : i32 to index
      %get3A_97 = arith.constant 0 : index
      %get3A_98 = vector.load %arg11[%get3A_96, %get3A_97] : memref<11264x256xf32, #tpu.memory_space<vmem>>, vector<216x256xf32>
      %add3A_99 = arith.addf %get3A_98, %dot_general3A_95 : vector<216x256xf32>
      %swap3A = arith.index_cast %add3A_86 : i32 to index
      %swap3A_100 = arith.constant 0 : index
      %swap3A_101 = vector.load %arg11[%swap3A, %swap3A_100] : memref<11264x256xf32, #tpu.memory_space<vmem>>, vector<216x256xf32>
      tpu.vector_store %arg11[%swap3A, %swap3A_100], %add3A_99 {strides = array<i32>} : memref<11264x256xf32, #tpu.memory_space<vmem>>, vector<216x256xf32>,
    }
    %eq3A_78 = arith.constant 49 : i32
    %eq3A_79 = arith.cmpi eq, %arg0, %eq3A_78 : i32
    %convert_element_type3A_80 = arith.extui %eq3A_79 : i1 to i32
    %cond3A_81 = arith.constant 0 : i32
    %cond3A_82 = arith.cmpi ne, %convert_element_type3A_80, %cond3A_81 : i32
    scf.if %cond3A_82 {
      %get3A_83 = arith.constant 0 : index
      %get3A_84 = arith.constant 0 : index
      %get3A_85 = arith.constant 0 : index
      %get3A_86 = vector.load %arg7[%get3A_83, %get3A_84, %get3A_85] : memref<1x11264x16xf32, #tpu.memory_space<vmem>>, vector<1x2816x16xf32>
      %get3A_87 = vector.shape_cast %get3A_86 : vector<1x2816x16xf32> to vector<2816x16xf32>
      %reduce_sum3A = arith.constant dense<0.000000e+00> : vector<2816xf32>
      %reduce_sum3A_88 = vector.multi_reduction <add>, %get3A_87, %reduce_sum3A [1] : vector<2816x16xf32> to vector<2816xf32>
      %broadcast_in_dim3A = vector.shape_cast %reduce_sum3A_88 : vector<2816xf32> to vector<2816x1xf32>
      %get3A_89 = arith.constant 0 : index
      %get3A_90 = arith.constant 0 : index
      %get3A_91 = vector.load %arg11[%get3A_89, %get3A_90] : memref<11264x256xf32, #tpu.memory_space<vmem>>, vector<2816x256xf32>
      %max3A_92 = arith.constant 1.000000e+00 : f32
      %max3A_93 = vector.broadcast %max3A_92 : f32 to vector<2816x1xf32>
      %max3A_94 = arith.maximumf %broadcast_in_dim3A, %max3A_93 : vector<2816x1xf32>
      %div3A_95 = vector.broadcast %max3A_94 : vector<2816x1xf32> to vector<2816x256xf32>
      %div3A_96 = arith.divf %get3A_91, %div3A_95 : vector<2816x256xf32>
      %get3A_97 = arith.constant 0 : index
      %get3A_98 = arith.constant 0 : index
      %get3A_99 = vector.load %arg8[%get3A_97, %get3A_98] : memref<256x256xf32, #tpu.memory_space<vmem>>, vector<256x256xf32>
      %dot_general3A_100 = arith.constant dense<0.000000e+00> : vector<2816x256xf32>
      %dot_general3A_101 = tpu.matmul %div3A_96, %get3A_99, %dot_general3A_100 {dimension_numbers = #tpu.dot_dimension_numbers<[1], [0], [0], [1], [0, 0, 1, 1], [], []>, transpose_lhs_hint = false} : vector<2816x256xf32>, vector<256x256xf32>, vector<2816x256xf32> -> vector<2816x256xf32>
      %get3A_102 = arith.constant 0 : index
      %get3A_103 = arith.constant 0 : index
      %get3A_104 = vector.load %arg9[%get3A_102, %get3A_103] : memref<1x256xf32, #tpu.memory_space<vmem>>, vector<1x256xf32>
      %add3A_105 = vector.broadcast %get3A_104 : vector<1x256xf32> to vector<2816x256xf32>
      %add3A_106 = arith.addf %dot_general3A_101, %add3A_105 : vector<2816x256xf32>
      %max3A_107 = arith.constant 0.000000e+00 : f32
      %max3A_108 = vector.broadcast %max3A_107 : f32 to vector<2816x256xf32>
      %max3A_109 = arith.maximumf %add3A_106, %max3A_108 : vector<2816x256xf32>
      %swap3A = arith.constant 0 : index
      %swap3A_110 = arith.constant 0 : index
      %swap3A_111 = vector.load %arg10[%swap3A, %swap3A_110] : memref<11264x256xf32, #tpu.memory_space<vmem>>, vector<2816x256xf32>
      tpu.vector_store %arg10[%swap3A, %swap3A_110], %max3A_109 {strides = array<i32>} : memref<11264x256xf32, #tpu.memory_space<vmem>>, vector<2816x256xf32>,
      %get3A_112 = arith.constant 0 : index
      %get3A_113 = arith.constant 2816 : index
      %get3A_114 = arith.constant 0 : index
      %get3A_115 = vector.load %arg7[%get3A_112, %get3A_113, %get3A_114] : memref<1x11264x16xf32, #tpu.memory_space<vmem>>, vector<1x2816x16xf32>
      %get3A_116 = vector.shape_cast %get3A_115 : vector<1x2816x16xf32> to vector<2816x16xf32>
      %reduce_sum3A_117 = arith.constant dense<0.000000e+00> : vector<2816xf32>
      %reduce_sum3A_118 = vector.multi_reduction <add>, %get3A_116, %reduce_sum3A_117 [1] : vector<2816x16xf32> to vector<2816xf32>
      %broadcast_in_dim3A_119 = vector.shape_cast %reduce_sum3A_118 : vector<2816xf32> to vector<2816x1xf32>
      %get3A_120 = arith.constant 2816 : index
      %get3A_121 = arith.constant 0 : index
      %get3A_122 = vector.load %arg11[%get3A_120, %get3A_121] : memref<11264x256xf32, #tpu.memory_space<vmem>>, vector<2816x256xf32>
      %max3A_123 = arith.constant 1.000000e+00 : f32
      %max3A_124 = vector.broadcast %max3A_123 : f32 to vector<2816x1xf32>
      %max3A_125 = arith.maximumf %broadcast_in_dim3A_119, %max3A_124 : vector<2816x1xf32>
      %div3A_126 = vector.broadcast %max3A_125 : vector<2816x1xf32> to vector<2816x256xf32>
      %div3A_127 = arith.divf %get3A_122, %div3A_126 : vector<2816x256xf32>
      %get3A_128 = arith.constant 0 : index
      %get3A_129 = arith.constant 0 : index
      %get3A_130 = vector.load %arg8[%get3A_128, %get3A_129] : memref<256x256xf32, #tpu.memory_space<vmem>>, vector<256x256xf32>
      %dot_general3A_131 = arith.constant dense<0.000000e+00> : vector<2816x256xf32>
      %dot_general3A_132 = tpu.matmul %div3A_127, %get3A_130, %dot_general3A_131 {dimension_numbers = #tpu.dot_dimension_numbers<[1], [0], [0], [1], [0, 0, 1, 1], [], []>, transpose_lhs_hint = false} : vector<2816x256xf32>, vector<256x256xf32>, vector<2816x256xf32> -> vector<2816x256xf32>
      %get3A_133 = arith.constant 0 : index
      %get3A_134 = arith.constant 0 : index
      %get3A_135 = vector.load %arg9[%get3A_133, %get3A_134] : memref<1x256xf32, #tpu.memory_space<vmem>>, vector<1x256xf32>
      %add3A_136 = vector.broadcast %get3A_135 : vector<1x256xf32> to vector<2816x256xf32>
      %add3A_137 = arith.addf %dot_general3A_132, %add3A_136 : vector<2816x256xf32>
      %max3A_138 = arith.constant 0.000000e+00 : f32
      %max3A_139 = vector.broadcast %max3A_138 : f32 to vector<2816x256xf32>
      %max3A_140 = arith.maximumf %add3A_137, %max3A_139 : vector<2816x256xf32>
      %swap3A_141 = arith.constant 2816 : index
      %swap3A_142 = arith.constant 0 : index
      %swap3A_143 = vector.load %arg10[%swap3A_141, %swap3A_142] : memref<11264x256xf32, #tpu.memory_space<vmem>>, vector<2816x256xf32>
      tpu.vector_store %arg10[%swap3A_141, %swap3A_142], %max3A_140 {strides = array<i32>} : memref<11264x256xf32, #tpu.memory_space<vmem>>, vector<2816x256xf32>,
      %get3A_144 = arith.constant 0 : index
      %get3A_145 = arith.constant 5632 : index
      %get3A_146 = arith.constant 0 : index
      %get3A_147 = vector.load %arg7[%get3A_144, %get3A_145, %get3A_146] : memref<1x11264x16xf32, #tpu.memory_space<vmem>>, vector<1x2816x16xf32>
      %get3A_148 = vector.shape_cast %get3A_147 : vector<1x2816x16xf32> to vector<2816x16xf32>
      %reduce_sum3A_149 = arith.constant dense<0.000000e+00> : vector<2816xf32>
      %reduce_sum3A_150 = vector.multi_reduction <add>, %get3A_148, %reduce_sum3A_149 [1] : vector<2816x16xf32> to vector<2816xf32>
      %broadcast_in_dim3A_151 = vector.shape_cast %reduce_sum3A_150 : vector<2816xf32> to vector<2816x1xf32>
      %get3A_152 = arith.constant 5632 : index
      %get3A_153 = arith.constant 0 : index
      %get3A_154 = vector.load %arg11[%get3A_152, %get3A_153] : memref<11264x256xf32, #tpu.memory_space<vmem>>, vector<2816x256xf32>
      %max3A_155 = arith.constant 1.000000e+00 : f32
      %max3A_156 = vector.broadcast %max3A_155 : f32 to vector<2816x1xf32>
      %max3A_157 = arith.maximumf %broadcast_in_dim3A_151, %max3A_156 : vector<2816x1xf32>
      %div3A_158 = vector.broadcast %max3A_157 : vector<2816x1xf32> to vector<2816x256xf32>
      %div3A_159 = arith.divf %get3A_154, %div3A_158 : vector<2816x256xf32>
      %get3A_160 = arith.constant 0 : index
      %get3A_161 = arith.constant 0 : index
      %get3A_162 = vector.load %arg8[%get3A_160, %get3A_161] : memref<256x256xf32, #tpu.memory_space<vmem>>, vector<256x256xf32>
      %dot_general3A_163 = arith.constant dense<0.000000e+00> : vector<2816x256xf32>
      %dot_general3A_164 = tpu.matmul %div3A_159, %get3A_162, %dot_general3A_163 {dimension_numbers = #tpu.dot_dimension_numbers<[1], [0], [0], [1], [0, 0, 1, 1], [], []>, transpose_lhs_hint = false} : vector<2816x256xf32>, vector<256x256xf32>, vector<2816x256xf32> -> vector<2816x256xf32>
      %get3A_165 = arith.constant 0 : index
      %get3A_166 = arith.constant 0 : index
      %get3A_167 = vector.load %arg9[%get3A_165, %get3A_166] : memref<1x256xf32, #tpu.memory_space<vmem>>, vector<1x256xf32>
      %add3A_168 = vector.broadcast %get3A_167 : vector<1x256xf32> to vector<2816x256xf32>
      %add3A_169 = arith.addf %dot_general3A_164, %add3A_168 : vector<2816x256xf32>
      %max3A_170 = arith.constant 0.000000e+00 : f32
      %max3A_171 = vector.broadcast %max3A_170 : f32 to vector<2816x256xf32>
      %max3A_172 = arith.maximumf %add3A_169, %max3A_171 : vector<2816x256xf32>
      %swap3A_173 = arith.constant 5632 : index
      %swap3A_174 = arith.constant 0 : index
      %swap3A_175 = vector.load %arg10[%swap3A_173, %swap3A_174] : memref<11264x256xf32, #tpu.memory_space<vmem>>, vector<2816x256xf32>
      tpu.vector_store %arg10[%swap3A_173, %swap3A_174], %max3A_172 {strides = array<i32>} : memref<11264x256xf32, #tpu.memory_space<vmem>>, vector<2816x256xf32>,
      %get3A_176 = arith.constant 0 : index
      %get3A_177 = arith.constant 8448 : index
      %get3A_178 = arith.constant 0 : index
      %get3A_179 = vector.load %arg7[%get3A_176, %get3A_177, %get3A_178] : memref<1x11264x16xf32, #tpu.memory_space<vmem>>, vector<1x2816x16xf32>
      %get3A_180 = vector.shape_cast %get3A_179 : vector<1x2816x16xf32> to vector<2816x16xf32>
      %reduce_sum3A_181 = arith.constant dense<0.000000e+00> : vector<2816xf32>
      %reduce_sum3A_182 = vector.multi_reduction <add>, %get3A_180, %reduce_sum3A_181 [1] : vector<2816x16xf32> to vector<2816xf32>
      %broadcast_in_dim3A_183 = vector.shape_cast %reduce_sum3A_182 : vector<2816xf32> to vector<2816x1xf32>
      %get3A_184 = arith.constant 8448 : index
      %get3A_185 = arith.constant 0 : index
      %get3A_186 = vector.load %arg11[%get3A_184, %get3A_185] : memref<11264x256xf32, #tpu.memory_space<vmem>>, vector<2816x256xf32>
      %max3A_187 = arith.constant 1.000000e+00 : f32
      %max3A_188 = vector.broadcast %max3A_187 : f32 to vector<2816x1xf32>
      %max3A_189 = arith.maximumf %broadcast_in_dim3A_183, %max3A_188 : vector<2816x1xf32>
      %div3A_190 = vector.broadcast %max3A_189 : vector<2816x1xf32> to vector<2816x256xf32>
      %div3A_191 = arith.divf %get3A_186, %div3A_190 : vector<2816x256xf32>
      %get3A_192 = arith.constant 0 : index
      %get3A_193 = arith.constant 0 : index
      %get3A_194 = vector.load %arg8[%get3A_192, %get3A_193] : memref<256x256xf32, #tpu.memory_space<vmem>>, vector<256x256xf32>
      %dot_general3A_195 = arith.constant dense<0.000000e+00> : vector<2816x256xf32>
      %dot_general3A_196 = tpu.matmul %div3A_191, %get3A_194, %dot_general3A_195 {dimension_numbers = #tpu.dot_dimension_numbers<[1], [0], [0], [1], [0, 0, 1, 1], [], []>, transpose_lhs_hint = false} : vector<2816x256xf32>, vector<256x256xf32>, vector<2816x256xf32> -> vector<2816x256xf32>
      %get3A_197 = arith.constant 0 : index
      %get3A_198 = arith.constant 0 : index
      %get3A_199 = vector.load %arg9[%get3A_197, %get3A_198] : memref<1x256xf32, #tpu.memory_space<vmem>>, vector<1x256xf32>
      %add3A_200 = vector.broadcast %get3A_199 : vector<1x256xf32> to vector<2816x256xf32>
      %add3A_201 = arith.addf %dot_general3A_196, %add3A_200 : vector<2816x256xf32>
      %max3A_202 = arith.constant 0.000000e+00 : f32
      %max3A_203 = vector.broadcast %max3A_202 : f32 to vector<2816x256xf32>
      %max3A_204 = arith.maximumf %add3A_201, %max3A_203 : vector<2816x256xf32>
      %swap3A_205 = arith.constant 8448 : index
      %swap3A_206 = arith.constant 0 : index
      %swap3A_207 = vector.load %arg10[%swap3A_205, %swap3A_206] : memref<11264x256xf32, #tpu.memory_space<vmem>>, vector<2816x256xf32>
      tpu.vector_store %arg10[%swap3A_205, %swap3A_206], %max3A_204 {strides = array<i32>} : memref<11264x256xf32, #tpu.memory_space<vmem>>, vector<2816x256xf32>,
    } else {
    }
    return
  }
  func.func @transform_0(%arg0: i32, %arg1: memref<50xi32, #tpu.memory_space<smem>>, %arg2: memref<50xi32, #tpu.memory_space<smem>>) -> (i32, i32, i32) {
    %c0_i32 = arith.constant 0 : i32
    %c0_i32_0 = arith.constant 0 : i32
    %c0_i32_1 = arith.constant 0 : i32
    return %arg0, %c0_i32, %c0_i32_0 : i32, i32, i32
  }
  func.func @transform_1(%arg0: i32, %arg1: memref<50xi32, #tpu.memory_space<smem>>, %arg2: memref<50xi32, #tpu.memory_space<smem>>) -> (i32, i32) {
    %c0_i32 = arith.constant 0 : i32
    %c0_i32_0 = arith.constant 0 : i32
    return %arg0, %c0_i32 : i32, i32
  }
  func.func @transform_2(%arg0: i32, %arg1: memref<50xi32, #tpu.memory_space<smem>>, %arg2: memref<50xi32, #tpu.memory_space<smem>>) -> (i32, i32) {
    %c0_i32 = arith.constant 0 : i32
    %c0_i32_0 = arith.constant 0 : i32
    %c0_i32_1 = arith.constant 0 : i32
    return %c0_i32, %c0_i32_0 : i32, i32
  }
  func.func @transform_3(%arg0: i32, %arg1: memref<50xi32, #tpu.memory_space<smem>>, %arg2: memref<50xi32, #tpu.memory_space<smem>>) -> (i32, i32) {
    %c0_i32 = arith.constant 0 : i32
    %c0_i32_0 = arith.constant 0 : i32
    %c0_i32_1 = arith.constant 0 : i32
    return %c0_i32, %c0_i32_0 : i32, i32
  }
  func.func @transform_4(%arg0: i32, %arg1: memref<50xi32, #tpu.memory_space<smem>>, %arg2: memref<50xi32, #tpu.memory_space<smem>>) -> (i32, i32, i32) {
    %c0_i32 = arith.constant 0 : i32
    %c0_i32_0 = arith.constant 0 : i32
    %c0_i32_1 = arith.constant 0 : i32
    %c0_i32_2 = arith.constant 0 : i32
    return %c0_i32, %c0_i32_0, %c0_i32_1 : i32, i32, i32
  }
  func.func @transform_5(%arg0: i32, %arg1: memref<50xi32, #tpu.memory_space<smem>>, %arg2: memref<50xi32, #tpu.memory_space<smem>>) -> (i32, i32) {
    %c0_i32 = arith.constant 0 : i32
    %c0_i32_0 = arith.constant 0 : i32
    %c0_i32_1 = arith.constant 0 : i32
    return %c0_i32, %c0_i32_0 : i32, i32
  }
  func.func @transform_6(%arg0: i32, %arg1: memref<50xi32, #tpu.memory_space<smem>>, %arg2: memref<50xi32, #tpu.memory_space<smem>>) -> (i32, i32) {
    %c0_i32 = arith.constant 0 : i32
    %c0_i32_0 = arith.constant 0 : i32
    %c0_i32_1 = arith.constant 0 : i32
    return %c0_i32, %c0_i32_0 : i32, i32
  }
  func.func @transform_7(%arg0: i32, %arg1: memref<50xi32, #tpu.memory_space<smem>>, %arg2: memref<50xi32, #tpu.memory_space<smem>>) -> (i32, i32) {
    %c0_i32 = arith.constant 0 : i32
    %c0_i32_0 = arith.constant 0 : i32
    %c0_i32_1 = arith.constant 0 : i32
    return %c0_i32, %c0_i32_0 : i32, i32
  }
}

</mosaic_0001>

<sc_bundles>
// kernel: kernel.4.cloned.1.call-start
scs
__scs_entry_jumppad:
0x0: {  	(pc) =	sbr.rel $0x88, $3  }
0x1: {  	(tag) =	ssettag $0x0;
	lr =	simm.s32 $0x1  }
0x2: {  	[smem:$0x3F9B] =	sst lr;
	_ =	strace $0xD0000000  }
0x3: {  	_ = 	snop  }
0x4: {  	_ = 	snop  }
0x5: {  	_ = 	snop  }
0x6: {  	_ = 	snop  }
0x7: {  	_ = 	snop  }
__scs_overlays_trampoline_lowered:
0x8: {  	[smem:$0x3FAA] =	sst s0  }
0x9: {  	[smem:$0x3FAB] =	sst s1  }
0xa: {  	[smem:$0x3FAC] =	sst s2  }
0xb: {  	[smem:$0x3FAD] =	sst s3  }
0xc: {  	[smem:$0x3FAE] =	sst s4  }
0xd: {  	[smem:$0x3FAF] =	sst s5  }
0xe: {  	[smem:$0x3FB0] =	sst s6  }
0xf: {  	[smem:$0x3FB1] =	sst s7  }
0x10: {  	[smem:$0x3FB2] =	sst s8  }
0x11: {  	[smem:$0x3FB3] =	sst s9;
	s0 =	simm.s32 @!p0 $0x0  }
0x12: {  	s1 =	sld [smem:$0x3F99];
	s0 =	simm.s32 @p0 $0x1  }
0x13: {  	[smem:$0x3FB4] =	sst s0;
	s0 =	simm.s32 @!p1 $0x0  }
0x14: {  	s2 =	sld [smem:$0x3F98];
	s0 =	simm.s32 @p1 $0x1  }
0x15: {  	[smem:$0x3FB5] =	sst s0;
	s0 =	simm.s32 @!p2 $0x0  }
0x16: {  	s3 =	sld [smem:$0x3FDB];
	s0 =	simm.s32 @p2 $0x1  }
0x17: {  	s4 =	simm.s32 $0x1BF5;
	[smem:$0x3FB7] =	sst s0  }
0x18: {  	s0 =	sld [smem:$0x3F9A];
	_ =	swait.ge [sflag:s4], $0x0  }
0x19: {  	s7 =	sld [smem:$0x3F9B]  }
0x1a: {  	s8 =	sadd.s32 $0xFFFFE003, lr  }
0x1b: {  	s9 =	sadd.s32 $0xFFFFFEF7, lr;
	s5 =	simm.s32 $0xFFFFFFFF;
	p2 =	slt.u32 s8, $0xFFFFF086  }
0x1c: {  	p1 =	slt.u32 s9, $0xF7A;
	s5 =	simm.s32 @!p2 $0x0  }
0x1d: {  	s5 =	simm.s32 @p1 $0x1;
	p0 =	seq.s32 s7, s2  }
0x1e: {  	s7 =	smul.u32 @!p0 $0xF7A, s2;
	p2 =	seq.s32 @!p0 s5, $0x0  }
0x1f: {  	s9 =	smul.u32 $0xF7A, s1;
	s8 =	simm.s32 @!p0 $0x1BF5;
	p2 =	por !p2, p0  }
0x20: {  	[sflag:s8] =	ssyncset.s32 @!p0 $0xFFFFF086;
	s6 =	sadd.s32 @!p0 s3, s7;
	s7 =	simm.s32 @!p0 $0x108  }
0x21: {  	s3 =	sadd.s32 s3, s9;
	s6 =	sadd.s32 @!p0 $0x88, s6;
	s7 =	simm.s32 @p2 $0x1082  }
0x22: {  	[simem:s7], [sflag:s8] =	dma.local @!p0 [hbm:s6], $0xF7A  }
0x23: {  	s9 =	sor.u32 $0xD0000000, s2;
	s6 =	simm.s32 $0x108;
	_ =	swait.ge @!p0 [sflag:s8], $0x0  }
0x24: {  	s3 =	sadd.s32 $0x88, s3;
	s6 =	simm.s32 @!p1 $0x1082;
	[sflag:s4] =	ssyncset.s32 $0xFFFFF086  }
0x25: {  	[simem:s6], [sflag:s4] =	dma.local [hbm:s3], $0xF7A  }
0x26: {  	[smem:$0x3F9B] =	sst s1;
	(tag) =	ssettag s2;
	_ =	strace s9  }
0x27: {  	s1 =	sld [smem:$0x3FAB]  }
0x28: {  	s2 =	sld [smem:$0x3FAC]  }
0x29: {  	s4 =	sld [smem:$0x3FAE]  }
0x2a: {  	p0 =	seq.s32 s5, $0x0;
	s5 =	sld [smem:$0x3FAF]  }
0x2b: {  	s6 =	sld [smem:$0x3FB0]  }
0x2c: {  	s7 =	sld [smem:$0x3FB1]  }
0x2d: {  	s3 =	simm.s32 $0x108;
	s8 =	sld [smem:$0x3FB2]  }
0x2e: {  	s3 =	simm.s32 @!p0 $0x1082;
	s9 =	sld [smem:$0x3FB3]  }
0x2f: {  	lr =	sadd.s32 s0, s3;
	s0 =	sld [smem:$0x3FAA]  }
0x30: {  	s3 =	sld [smem:$0x3FAD]  }
0x31: {  	[smem:$0x3FB6] =	sst s10  }
0x32: {  	s10 =	sld [smem:$0x3FB4];
	_ =	sdelay $0x3  }
0x33: {  	p0 =	seq.s32 s10, $0x1;
	s10 =	sld [smem:$0x3FB6];
	_ =	sdelay $0x3  }
0x34: {  	[smem:$0x3FB6] =	sst s10  }
0x35: {  	s10 =	sld [smem:$0x3FB5];
	_ =	sdelay $0x3  }
0x36: {  	p1 =	seq.s32 s10, $0x1;
	s10 =	sld [smem:$0x3FB6];
	_ =	sdelay $0x3  }
0x37: {  	[smem:$0x3FB6] =	sst s10  }
0x38: {  	s10 =	sld [smem:$0x3FB7]  }
0x39: {  	_ = 	snop;
	(pc) =	sbr.ind lr, $3  }
0x3a: {  	_ = 	snop  }
0x3b: {  	_ = 	snop  }
0x3c: {  	p2 =	seq.s32 s10, $0x1;
	s10 =	sld [smem:$0x3FB6]  }
0x3d: {  	_ =	shalt  }
0x3e: {  	_ =	shalt  }
0x3f: {  	_ =	shalt  }
0x40: {  	_ =	shalt  }
0x41: {  	_ =	shalt  }
0x42: {  	_ =	shalt  }
0x43: {  	_ =	shalt  }
0x44: {  	_ =	shalt  }
0x45: {  	_ =	shalt  }
0x46: {  	_ =	shalt  }
0x47: {  	_ =	shalt  }
0x48: {  	_ =	shalt  }
0x49: {  	_ =	shalt  }
0x4a: {  	_ =	shalt  }
0x4b: {  	_ =	shalt  }
0x4c: {  	_ =	shalt  }
0x4d: {  	_ =	shalt  }
0x4e: {  	_ =	shalt  }
0x4f: {  	_ =	shalt  }
0x50: {  	_ =	shalt  }
0x51: {  	_ =	shalt  }
0x52: {  	_ =	shalt  }
0x53: {  	_ =	shalt  }
0x54: {  	_ =	shalt  }
0x55: {  	_ =	shalt  }
0x56: {  	_ =	shalt  }
0x57: {  	_ =	shalt  }
0x58: {  	_ =	shalt  }
0x59: {  	_ =	shalt  }
0x5a: {  	_ =	shalt  }
0x5b: {  	_ =	shalt  }
0x5c: {  	_ =	shalt  }
0x5d: {  	_ =	shalt  }
0x5e: {  	_ =	shalt  }
0x5f: {  	_ =	shalt  }
0x60: {  	_ =	shalt  }
0x61: {  	_ =	shalt  }
0x62: {  	_ =	shalt  }
0x63: {  	_ =	shalt  }
0x64: {  	_ =	shalt  }
0x65: {  	_ =	shalt  }
0x66: {  	_ =	shalt  }
0x67: {  	_ =	shalt  }
0x68: {  	_ =	shalt  }
0x69: {  	_ =	shalt  }
0x6a: {  	_ =	shalt  }
0x6b: {  	_ =	shalt  }
0x6c: {  	_ =	shalt  }
0x6d: {  	_ =	shalt  }
0x6e: {  	_ =	shalt  }
0x6f: {  	_ =	shalt  }
0x70: {  	_ =	shalt  }
0x71: {  	_ =	shalt  }
0x72: {  	_ =	shalt  }
0x73: {  	_ =	shalt  }
0x74: {  	_ =	shalt  }
0x75: {  	_ =	shalt  }
0x76: {  	_ =	shalt  }
0x77: {  	_ =	shalt  }
0x78: {  	_ =	shalt  }
0x79: {  	_ =	shalt  }
0x7a: {  	_ =	shalt  }
0x7b: {  	_ =	shalt  }
0x7c: {  	_ =	shalt  }
0x7d: {  	_ =	shalt  }
0x7e: {  	_ =	shalt  }
0x7f: {  	_ =	shalt  }
0x80: {  	_ =	shalt  }
0x81: {  	_ =	shalt  }
0x82: {  	_ =	shalt  }
0x83: {  	_ =	shalt  }
0x84: {  	_ =	shalt  }
0x85: {  	_ =	shalt  }
0x86: {  	_ =	shalt  }
0x87: {  	_ =	shalt  }
.Lfunc_end0:
.L_simem_size_0:
called_computation_lowered:
.L_overlay_start_0:
0x88: {  	s0 =	sld [smem:$0x3FD9]  }
0x89: {  	s1 =	sld [smem:$0x3FFE];
	_ =	sdelay $0x3  }
0x8a: {  	s0 =	sadd.s32 s1, s0  }
0x8b: {  	[smem:$0x3FC2] =	sst s0  }
0x8c: {  	_ = 	snop  }
0x8d: {  	s0 =	sld [smem:$0x3FC8]  }
0x8e: {  	s16 =	sld [smem:$0x3FD0];
	(tm) =	ssettm $0x1  }
0x8f: {  	s2 =	sld [smem:$0x3FFB];
	_ =	sdelay $0x3  }
0x90: {  	_ =	strace s2  }
0x91: {  	s2 =	sld [smem:$0x3FFC];
	_ =	sdelay $0x3  }
0x92: {  	_ =	strace s2  }
0x93: {  	s2 =	sld [smem:$0x3FFD];
	_ =	sdelay $0x3  }
0x94: {  	_ =	strace s2  }
0x95: {  	_ =	strace $0x8FFFFFFF  }
0x96: {  	s17 =	sld [smem:$0x3FDB];
	_ =	sdelay $0x1  }
0x97: {  	s3 =	simm.s32 $_scs_section_size  }
0x98: {  	s4 =	simm.s32 $_size__tile_overlayer_lowered;
	s5 =	simm.s32 $_tile_overlayer_lowered  }
0x99: {  	s20 =	simm.s32 $0x1BFF;
	s19 =	sshll.u32 s5, $0x1;
	s2 =	sadd.s32 s3, s17  }
0x9a: {  	s6 =	simm.s32 $0x0;
	s18 =	sshll.u32 s4, $0x1;
	s4 =	sadd.s32 s19, s2  }
0x9b: {  	[timem:s6], [sflag:s20] =	dma.local [hbm:s4], s18  }
0x9c: {  	_ =	swait.ge [sflag:s20], s18  }
0x9d: {  	s3 =	ssub.s32 $0x0, s18;
	[sflag:s20] =	ssyncset.done $0x0  }
0x9e: {  	[sflag:s20] =	ssyncadd.s32 s3;
	_ =	sdelay $0x1  }
0x9f: {  	s21 =	simm.s32 $0x1B8B  }
0xa0: {  	_ =	swait.ge [sflag:s21], $0x1  }
0xa1: {  	[sflag:s21] =	ssyncset.done $0x0  }
0xa2: {  	s23 =	simm.s32 $0x1B8E;
	s22 =	sld [smem:$0x3FFE];
	[sflag:s21] =	ssyncadd.s32 $0xFFFFFFFF  }
0xa3: {  	s24 =	simm.s32 $execute0_lowered;
	[smem:$0x3FD2] =	sst s23  }
0xa4: {  	s4 =	sshll.u32 s24, $0x1;
	_ =	strace $0x80000046;
	[dreg:$0x1] =	wrdreg $0xFFFFFFFF  }
0xa5: {  	s25 =	simm.s32 $_size_execute0_lowered;
	s2 =	sadd.s32 s2, s4;
	[dreg:$0x0] =	wrdreg $0x0  }
0xa6: {  	s4 =	sshll.u32 s25, $0x1;
	[dreg:$0x2] =	wrdreg s2  }
0xa7: {  	[dreg:$0x3] =	wrdreg s4  }
0xa8: {  	[dreg:$0x4] =	wrdreg $0xC0  }
0xa9: {  	_ =	task [dreg:s6], $0x5FFFF  }
0xaa: {  	[dreg:$0x1] =	wrdreg $0xFFFFFFFF  }
0xab: {  	[dreg:$0x0] =	wrdreg $0x60  }
0xac: {  	[dreg:$0x2] =	wrdreg s0  }
0xad: {  	[dreg:$0x3] =	wrdreg s22  }
0xae: {  	[dreg:$0x4] =	wrdreg s16  }
0xaf: {  	[dreg:$0x5] =	wrdreg $0x9B800  }
0xb0: {  	[dreg:$0x6] =	wrdreg $0x9  }
0xb1: {  	_ =	task.clear_ibuf [dreg:s6], $0x7FFFF;
	_ =	strace $0x90000046  }
0xb2: {  	s26 =	simm.s32 $0x9;
	_ =	strace $0x80000048  }
0xb3: {  	_ =	swait.ge [sflag:s26], $0x1  }
0xb4: {  	[sflag:s26] =	ssyncadd.s32 $0xFFFFFFFF  }
0xb5: {  	_ =	strace $0x90000048  }
0xb6: {  	_ =	sfence  }
0xb7: {  	s28 =	sld [smem:$0x0];
	_ =	sdelay $0x1  }
0xb8: {  	s29 =	srdreg.scid  }
0xb9: {  	s30 =	sshll.u32 s29, $0xD;
	s31 =	sshrl.u32 s29, $0x2  }
0xba: {  	s1 =	sand.u32 $0x1, s29;
	s2 =	sand.u32 $0x4000, s30;
	s0 =	sadd.s32 s31, s28  }
0xbb: {  	s1 =	sor.u32 s2, s1;
	s0 =	sshll.u32 s0, $0x11  }
0xbc: {  	s0 =	sor.u32 s0, s1  }
0xbd: {  	s0 =	sadd.s32 $0x8F2B, s0  }
0xbe: {  	[sflag:s0] =	ssyncadd.remote.s32 $0x1  }
0xbf: {  	_ =	sfence.sel $0xFFFF  }
0xc0: {  	[dreg:$0x0] =	wrdreg $0xFFFFFFFF;
	(pc) =	sbr.abs _section_cstart, $3  }
0xc1: {  	[dreg:$0x1] =	wrdreg $0xFFFFFFFF  }
0xc2: {  	_ =	task.clear_ibuf [dreg:s6], $0x2FFFF;
	_ =	strace $0x9FFFFFFF  }
0xc3: {  	(tm) =	ssettm $0x7FFFFFFF  }
tec
execute0_lowered:
.L_overlay_start_1:
0x0: {  	(tag) =	ssettag $0x1  }
0x1: {  	s5 =	rddreg [dreg:$0x0]  }
0x2: {  	s1 =	rddreg [dreg:$0x1]  }
0x3: {  	s7 =	rddreg [dreg:$0x2]  }
0x4: {  	s2 =	rddreg [dreg:$0x3]  }
0x5: {  	s0 =	rddreg [dreg:$0x4];
	s3 =	simm.s32 $0x0;
	s4 =	simm.s32 $0x3C0  }
0x6: {  	[smem:$0x7FF] =	sst s3;
	s8 =	sadd.s32 $0xA00, s1;
	s6 =	sadd.s32 $0x800, s1  }
0x7: {  	v0 =	vimm.f32 $0.0e+00;
	s1 =	stileid.u32;
	s3 =	simm.s32 $0x70;
	_ =	strace $0x80000047  }
.LBB2_1:
0x8: {  	p0 =	sne.s32 s4, $0xAFC0;
	[tilespmem:s3+$0x6F00] =	vst v0  }
0x9: {  	[tilespmem:s3+$0x6E90] =	vst v0  }
0xa: {  	[tilespmem:s3+$0x6EA0] =	vst v0  }
.Ltmp0:
0xb: {  	[tilespmem:s3+$0x6EB0] =	vst v0;
	(pc) =	sbr.rel @p0 .LBB2_1-.Ltmp0, $4  }
0xc: {  	[tilespmem:s3+$0x6EC0] =	vst v0  }
0xd: {  	[tilespmem:s3+$0x6ED0] =	vst v0  }
0xe: {  	[tilespmem:s3+$0x6EE0] =	vst v0  }
0xf: {  	[tilespmem:s3+$0x6EF0] =	vst v0;
	s3 =	sshra.s32 s4, $0x2;
	s4 =	sadd.s32 $0x200, s4  }
0x10: {  	[tilespmem:s3+$0x6F00] =	vst v0  }
0x11: {  	[tilespmem:s3+$0x6E90] =	vst v0  }
0x12: {  	[tilespmem:s3+$0x6EA0] =	vst v0  }
0x13: {  	[tilespmem:s3+$0x6EB0] =	vst v0  }
0x14: {  	[tilespmem:s3+$0x6EC0] =	vst v0;
	s4 =	smul.u32 $0xB000, s1  }
0x15: {  	[tilespmem:s3+$0x6ED0] =	vst v0  }
0x16: {  	[tilespmem:s3+$0x6EE0] =	vst v0;
	s4 =	sshrl.u32 s4, $0x2  }
0x17: {  	[tilespmem:s3+$0x6EF0] =	vst v0;
	s20 =	simm.s32 $0x6F00;
	s3 =	simm.s32 $0x1;
	s4 =	sadd.s32 s4, s2  }
0x18: {  	[spmem:s4] =	stream.linear.scatter [tilespmem:s20], [sflag:$0x1], $0x2C00, $0x38;
	[tilespmem:$0xC780] =	vst v63  }
0x19: {  	s9 =	smul.u32 $0x9C4, s1;
	_ =	swait.ge [sflag:s3], $0x2C00  }
0x1a: {  	[sflag:s3] =	ssyncset.done $0x0  }
0x1b: {  	s9 =	sadd.s32 s5, s9;
	s5 =	simm.s32 $0x0;
	[sflag:s3] =	ssyncadd.s32 $0xFFFFD400  }
0x1c: {  	[tilespmem:s5], [sflag:$0x1] =	stream.linear.gather [hbm4b:s9+s5], $0x4E20, $0x38;
	[tilespmem:$0xC780] =	vst v63  }
0x1d: {  	_ =	swait.ge [sflag:s3], $0x4E20  }
0x1e: {  	[sflag:s3] =	ssyncset.done $0x0  }
0x1f: {  	s21 =	simm.s32 $0x9B00;
	[sflag:s3] =	ssyncadd.s32 $0xFFFFB1E0  }
0x20: {  	[tilespmem:s21], [sflag:$0x1] =	stream.linear.gather [hbm4b:s8+s5], $0x10, $0x38;
	[tilespmem:$0xC780] =	vst v63  }
0x21: {  	_ =	swait.ge [sflag:s3], $0x10  }
0x22: {  	[sflag:s3] =	ssyncset.done $0x0  }
0x23: {  	s22 =	simm.s32 $0x9B10;
	[sflag:s3] =	ssyncadd.s32 $0xFFFFFFF0  }
0x24: {  	[tilespmem:s22], [sflag:$0x1] =	stream.linear.gather [hbm4b:s6+s5], $0x10, $0x38;
	[tilespmem:$0xC780] =	vst v63  }
0x25: {  	_ =	swait.ge [sflag:s3], $0x10  }
0x26: {  	[sflag:s3] =	ssyncset.done $0x0  }
0x27: {  	[sflag:s3] =	ssyncadd.s32 $0xFFFFFFF0  }
0x28: {  	v1 =	vld [tilespmem:$0x9B00];
	_ =	sdelay $0x3  }
0x29: {  	v2 =	vmov s1;
	v0 =	vlaneseq.u32  }
0x2a: {  	vm0 =	veq.s32 v2, v0;
	v1 =	vxor.u32 $0x80000000, v1  }
0x2b: {  	v1 =	vnsel vm0, $0x0, v1  }
0x2c: {  	v2 =	vld [tilespmem:$0x9B10];
	(xrf0) =	vmax.scan.msk.u32 $0xffff, v1;
	_ =	sdelay $0x4  }
0x2d: {  	v1 =	vxor.u32 $0x80000000, v2  }
0x2e: {  	v1 =	vnsel vm0, $0x0, v1;
	v2, _, _ =	vpop (xrf0)  }
0x2f: {  	(xrf0) =	vmax.scan.msk.u32 $0xffff, v1;
	(v2sf) =	vpush v2, $0xF;
	_ =	sdelay $0x5  }
0x30: {  	v1, _, _ =	vpop (xrf0)  }
0x31: {  	(v2sf) =	vpush v1, $0xF;
	_ =	sdelay $0x7  }
0x32: {  	s23 =	spop (v2sf)  }
0x33: {  	s24 =	sxor.u32 $0x80000000, s23  }
0x34: {  	p1 =	sgt.s32 s23, $0xFFFFFFFF;
	s6 =	sand.u32 $0xF, s23;
	p0 =	slt.s32 s24, $0x1  }
0x35: {  	s25 =	sshra.s32 s24, $0x1F;
	p4 =	sne.s32 s6, $0x0;
	p0 =	por p1, p0  }
0x36: {  	s26 =	sshrl.u32 s25, $0x1C;
	p0 =	por !p4, !p0  }
0x37: {  	s8 =	simm.s32 $0x1;
	s6 =	sadd.s32 s26, s24;
	p0 =	por !p0, !p0  }
0x38: {  	s6 =	sshrl.u32 s6, $0x4;
	s8 =	simm.s32 @!p0 $0x0  }
0x39: {  	s28 =	spop (v2sf);
	s6 =	ssub.s32 s6, s8  }
0x3a: {  	s8 =	sxor.u32 $0x80000000, s28;
	s6 =	sshll.u32 s6, $0x4  }
0x3b: {  	s29 =	ssub.s32 s8, s6;
	p0 =	sne.s32 s8, s6;
	s8 =	simm.s32 $0x1  }
0x3c: {  	s10 =	sshra.s32 s29, $0x1F;
	s8 =	simm.s32 @!p0 $0x0  }
0x3d: {  	s11 =	sand.u32 $0x1FF, s29;
	s8 =	sor.u32 s8, s10  }
0x3e: {  	p6 =	sne.s32 s11, $0x0;
	p5 =	sne.s32 s8, $0x1  }
0x3f: {  	s30 =	sshrl.u32 s10, $0x17;
	p0 =	por !p6, !p5  }
0x40: {  	s9 =	simm.s32 $0x1;
	s8 =	sadd.s32 s30, s29;
	p0 =	por !p0, !p0  }
0x41: {  	s8 =	sshra.s32 s8, $0x9;
	s9 =	simm.s32 @!p0 $0x0  }
0x42: {  	s8 =	ssub.s32 s8, s9  }
0x43: {  	p0 =	slt.s32 s8, $0x0  }
.Ltmp1:
0x44: {  	_ = 	snop;
	(pc) =	sbr.rel @p0 .LBB2_9-.Ltmp1, $4  }
0x45: {  	_ = 	snop  }
0x46: {  	s31 =	smul.u32 $0x580, s1  }
0x47: {  	[bflag:$0x0] =	sbarrier.arrive $0xFFFF  }
0x48: {  	s7 =	sadd.s32 s7, s31  }
0x49: {  	v1 =	vimm.f32 $0.0e+00;
	v2 =	vimm.s32 $0x0;
	v3 =	vimm.f32 $1.000000000e+00;
	s9 =	simm.s32 $0x4E80;
	s10 =	simm.s32 $0x40;
	s11 =	simm.s32 $0x6E80  }
.LBB2_4:
0x4a: {  	s12 =	simm.s32 $0x0;
	s13 =	simm.s32 $0x200  }
.LBB2_5:
0x4b: {  	p0 =	seq.s32 s13, $0x7E00;
	[tilespmem:s12+$0x4EF0] =	vst v1  }
0x4c: {  	[tilespmem:s12+$0x4E80] =	vst v1  }
0x4d: {  	[tilespmem:s12+$0x4E90] =	vst v1  }
.Ltmp2:
0x4e: {  	[tilespmem:s12+$0x4EA0] =	vst v1;
	(pc) =	sbr.rel @!p0 .LBB2_5-.Ltmp2, $4  }
0x4f: {  	[tilespmem:s12+$0x4EB0] =	vst v1  }
0x50: {  	[tilespmem:s12+$0x4EC0] =	vst v1  }
0x51: {  	[tilespmem:s12+$0x4ED0] =	vst v1  }
0x52: {  	[tilespmem:s12+$0x4EE0] =	vst v1;
	s12 =	sshra.s32 s13, $0x2;
	s13 =	sadd.s32 $0x200, s13  }
0x53: {  	[tilespmem:s12+$0x4EF0] =	vst v1  }
0x54: {  	[tilespmem:s12+$0x4E80] =	vst v1  }
0x55: {  	[tilespmem:s12+$0x4E90] =	vst v1  }
0x56: {  	[tilespmem:s12+$0x4EA0] =	vst v1  }
0x57: {  	[tilespmem:s12+$0x4EB0] =	vst v1  }
0x58: {  	[tilespmem:s12+$0x4EC0] =	vst v1  }
0x59: {  	[tilespmem:s12+$0x4ED0] =	vst v1;
	s31 =	sshll.u32 s5, $0x9  }
0x5a: {  	[tilespmem:s12+$0x4EE0] =	vst v1;
	s12 =	sadd.s32 s6, s31  }
0x5b: {  	s14 =	simm.s32 $0x0;
	s13 =	simm.s32 $0x40;
	v4 =	vmov s12  }
.LBB2_7:
0x5c: {  	p0 =	seq.s32 s13, $0x13840;
	v5 =	vld [tilespmem:s14+$0x0];
	_ =	sdelay $0x4  }
0x5d: {  	v5 =	vsub.s32 v5, v4  }
0x5e: {  	v6 =	vshll.u32 v5, $0x4  }
0x5f: {  	v7 =	vor.u32 v0, v6  }
0x60: {  	vm0 =	vgt.s32 v7, $0x0  }
0x61: {  	v8 =	vshra.s32 v6, $0x1F;
	v9 =	vsel vm0, $0x1, v2  }
0x62: {  	v10 =	vand.u32 $0x7F, v7;
	v9 =	vadd.s32 v9, v8  }
0x63: {  	vm1 =	vne.s32 v10, $0x0;
	v8 =	vshrl.u32 v8, $0x19;
	vm0 =	vne.s32 v9, $0x1  }
0x64: {  	v7 =	vadd.s32 v8, v7;
	vm0 =	vmand vm1, vm0  }
0x65: {  	v7 =	vshrl.u32 v7, $0x7;
	v8 =	vsel vm0, $0xFFFFFFFF, v2  }
0x66: {  	v7 =	vadd.s32 v8, v7  }
0x67: {  	v7 =	vshll.u32 v7, $0x7  }
0x68: {  	v6 =	vsub.s32 v6, v7  }
0x69: {  	v6 =	vand.u32 $0xFFFFFF80, v6  }
0x6a: {  	vm0 =	vlt.u32 v5, $0x200;
	v5 =	vadd.s32 v7, v6  }
0x6b: {  	v5 =	vor.u32 v10, v5  }
.Ltmp3:
0x6c: {  	(pc) =	sbr.rel @!p0 .LBB2_7-.Ltmp3, $2  }
0x6d: {  	_ =	sdelay $0x2  }
0x6e: {  	s14 =	sshra.s32 s13, $0x2;
	s13 =	sadd.s32 $0x40, s13;
	[tilespmem:v5+s9+$0x0] =	vst.idx.add.f32.msk vm0, v3  }
0x6f: {  	v5 =	vld [tilespmem:s14+$0x0];
	_ =	sdelay $0x4  }
0x70: {  	v4 =	vsub.s32 v5, v4  }
0x71: {  	v5 =	vshll.u32 v4, $0x4  }
0x72: {  	v6 =	vor.u32 v0, v5  }
0x73: {  	vm0 =	vgt.s32 v6, $0x0  }
0x74: {  	v7 =	vshra.s32 v5, $0x1F;
	v8 =	vsel vm0, $0x1, v2  }
0x75: {  	v9 =	vand.u32 $0x7F, v6;
	v8 =	vadd.s32 v8, v7  }
0x76: {  	vm1 =	vne.s32 v9, $0x0;
	v7 =	vshrl.u32 v7, $0x19;
	vm14 =	vne.s32 v8, $0x1  }
0x77: {  	v6 =	vadd.s32 v7, v6;
	vm0 =	vmand vm1, vm14  }
0x78: {  	v6 =	vshrl.u32 v6, $0x7;
	v63 =	vsel vm0, $0xFFFFFFFF, v2  }
0x79: {  	v6 =	vadd.s32 v63, v6  }
0x7a: {  	v6 =	vshll.u32 v6, $0x7  }
0x7b: {  	v5 =	vsub.s32 v5, v6  }
0x7c: {  	v5 =	vand.u32 $0xFFFFFF80, v5  }
0x7d: {  	vm15 =	vlt.u32 v4, $0x200;
	v4 =	vadd.s32 v6, v5  }
0x7e: {  	v4 =	vor.u32 v9, v4;
	_ =	sdelay $0x3  }
0x7f: {  	s12 =	sshra.s32 s12, $0x3  }
0x80: {  	s13 =	sadd.s32 $0x10, s12;
	[tilespmem:v4+s9+$0x0] =	vst.idx.add.f32.msk vm15, v3;
	v4 =	vadd.s32 s12, v0  }
0x81: {  	s30 =	sadd.s32 $0x20, s12;
	[tilespmem:$0x6E80] =	vst v4;
	v4 =	vadd.s32 s13, v0  }
0x82: {  	s12 =	sadd.s32 $0x30, s12;
	[tilespmem:$0x6E90] =	vst v4;
	v4 =	vadd.s32 s30, v0  }
0x83: {  	p0 =	seq.s32 s5, s8;
	[tilespmem:$0x6EA0] =	vst v4;
	v4 =	vadd.s32 s12, v0  }
.Ltmp4:
0x84: {  	[tilespmem:$0x6EB0] =	vst v4;
	(pc) =	sbr.rel @!p0 .LBB2_4-.Ltmp4, $4  }
0x85: {  	[spmem:s2] =	stream.indirect.scatter.add.f32 [tilespmem:s9], [sflag:$0x1], $0x80, s11, s10, $0xb8;
	[tilespmem:$0xC780] =	vst v63  }
0x86: {  	_ =	swait.ge [sflag:s3], $0x2000  }
0x87: {  	s31 =	sadd.s32 $0x1, s5;
	[sflag:s3] =	ssyncset.done $0x0  }
0x88: {  	s5 =	smov.u32 s31;
	[sflag:s3] =	ssyncadd.s32 $0xFFFFE000  }
.LBB2_9:
0x89: {  	s2 =	sshll.u32 s1, $0x6  }
0x8a: {  	[bflag:$0x0] =	sbarrier.arrive $0xFFFF;
	s4 =	sshrl.u32 s4, $0x3;
	s2 =	sor.u32 $0x1C01, s2  }
0x8b: {  	[hbm:s7], [sflag:s2] =	dma.local [spmem:s4], $0x580  }
0x8c: {  	_ =	swait.ge [sflag:s3], $0x580  }
0x8d: {  	[sflag:s3] =	ssyncset.done $0x0  }
0x8e: {  	[sflag:s3] =	ssyncadd.s32 $0xFFFFFA80  }
0x8f: {  	_ =	sfence.sel $0x180000  }
0x90: {  	[bflag:$0x0] =	sbarrier.arrive $0xFFFF  }
0x91: {  	p0 =	sne.s32 s1, $0x0;
	_ =	strace $0x90000047  }
0x92: {  	s0 =	sadd.s32 @!p0 $0x100000, s0;
	[bflag:$0x2] =	sbarrier.arrive $0xFFFF  }
0x93: {  	[sflag:s0] =	ssyncadd.tile.s32 @!p0 $0x1;
	_ =	shalt  }
.Lfunc_end2:
_tile_overlayer_lowered:
.L_overlay_start_2:
0x94: {  	(tag) =	ssettag $0x2  }
0x95: {  	s0 =	rddreg [dreg:$0x0];
	s2 =	stileid.u32  }
0x96: {  	s1 =	rddreg [dreg:$0x1];
	p0 =	sne.s32 s2, $0x0  }
0x97: {  	s3 =	rddreg [dreg:$0x2];
	[bflag:$0x3] =	sbarrier.arrive $0xFFFF;
	s2 =	simm.s32 @!p0 $0x1C01  }
0x98: {  	[timem:s3], [sflag:s2] =	dma.local @!p0 [hbm:s0], s1  }
0x99: {  	s0 =	simm.s32 @!p0 $0x1  }
0x9a: {  	_ =	swait.ge @!p0 [sflag:s0], s1  }
0x9b: {  	s1 =	ssub.s32 @!p0 $0x0, s1;
	[sflag:s0] =	ssyncset.done @!p0 $0x0  }
0x9c: {  	[sflag:s0] =	ssyncadd.s32 @!p0 s1  }
0x9d: {  	[bflag:$0x3] =	sbarrier.arrive $0xFFFF  }
0x9e: {  	_ =	shalt  }

</sc_bundles>
